<compile_context>
chip_gen: v7x
topology: tpu7x:2x2x1
jax: 0.10.2.dev20260603
libtpu: 0.0.44.dev20260713+nightly
codegen_flags: <defaults>
</compile_context>

<pallas_src>
import functools

import jax
import jax.numpy as jnp
from jax import lax
from jax.experimental import pallas as pl
from jax.experimental.pallas import tpu as pltpu
from jax.experimental.pallas import tpu_sc as plsc

_D = 1024
_LANES = 16
_NC, _NS = 2, 16
_NW = _NC * _NS
_CHUNK = 8
_RING = 4


def _sc_add_pe(x2d, seg1d, pe):
    n = x2d.shape[0]
    per_w = n // _NW
    steps = per_w // _CHUNK
    mesh = plsc.VectorSubcoreMesh(core_axis_name="c", subcore_axis_name="s")

    @functools.partial(
        pl.kernel,
        mesh=mesh,
        out_type=jax.ShapeDtypeStruct((n, _D), jnp.float32),
        scratch_types=(
            [pltpu.VMEM((per_w,), jnp.int32)]
            + [pltpu.VMEM((_CHUNK, _D), jnp.float32) for _ in range(2 * _RING)]
            + [pltpu.SemaphoreType.DMA for _ in range(3 * _RING)]
        ),
    )
    def k(x_hbm, seg_hbm, pe_hbm, out_hbm, idx_v, *bufs):
        rows = bufs[:_RING]
        xvs = bufs[_RING:2 * _RING]
        gss = bufs[2 * _RING:3 * _RING]
        xss = bufs[3 * _RING:4 * _RING]
        oss = bufs[4 * _RING:5 * _RING]

        wid = lax.axis_index("s") * _NC + lax.axis_index("c")
        base = wid * per_w
        pltpu.sync_copy(seg_hbm.at[pl.ds(base, per_w)], idx_v)

        def gather_desc(c, b):
            return pltpu.make_async_copy(
                pe_hbm.at[idx_v.at[pl.ds(c * _CHUNK, _CHUNK)]], rows[b], gss[b])

        def xin_desc(c, b):
            return pltpu.make_async_copy(
                x_hbm.at[pl.ds(base + c * _CHUNK, _CHUNK)], xvs[b], xss[b])

        def out_desc(c, b):
            return pltpu.make_async_copy(
                rows[b], out_hbm.at[pl.ds(base + c * _CHUNK, _CHUNK)], oss[b])

        def issue_in(c, b):
            gather_desc(c, b).start()
            xin_desc(c, b).start()

        for c0 in range(_RING - 1):
            issue_in(c0, c0)

        @pl.loop(0, steps, step=_RING)
        def _group(c):
            for b in range(_RING):
                cc = c + b
                bprev = (b - 1) % _RING
                gather_desc(cc, b).wait()
                xin_desc(cc, b).wait()

                @pl.when(cc >= 1)
                def _():
                    out_desc(cc - 1, bprev).wait()

                @pl.when(cc + _RING - 1 < steps)
                def _():
                    issue_in(cc + _RING - 1, bprev)

                @plsc.parallel_loop(0, _CHUNK * (_D // _LANES), unroll=16)
                def _pair_add(t):
                    r = lax.shift_right_logical(t, 6)
                    col = pl.multiple_of(
                        lax.shift_left(lax.bitwise_and(t, _D // _LANES - 1), 4),
                        _LANES)
                    sl = pl.ds(col, _LANES)
                    plsc.addupdate(rows[b].at[r, sl], xvs[b][r, sl])

                out_desc(cc, b).start()

        out_desc(steps - 1, (steps - 1) % _RING).wait()

    return k(x2d, seg1d, pe)


def kernel(x, segment, pe):
    b, s, d = x.shape
    out = _sc_add_pe(x.reshape(b * s, d), segment.reshape(b * s), pe)
    return out.reshape(b, s, d)

# --- scband reference (transcript-rebuilt; emitter-appended) ---
"""Pipeline reference for scband-segment-sinusoidal-positional-encoding-23021024706882 (READ-ONLY COPY).

The authoritative reference and input builder live on the scoring server;
editing this copy changes nothing except your own understanding.
"""

import math
import jax, jax.numpy as jnp
import numpy as np

D_MODEL = 1024
MAX_LEN = 8192
BATCH = 4
SEQ = 8192


def _build_pe(d_model, max_len):
    position = jnp.arange(max_len, dtype=jnp.float32)[:, None]
    div_term = jnp.exp(jnp.arange(0, d_model, 2, dtype=jnp.float32) * (-math.log(10000.0) / d_model))
    pe = jnp.zeros((max_len + 1, d_model), dtype=jnp.float32)
    pe = pe.at[1:, 0::2].set(jnp.sin(position * div_term))
    pe = pe.at[1:, 1::2].set(jnp.cos(position * div_term))
    return pe


def setup_inputs(seed: int = 0) -> dict:
    key = jax.random.key(seed)
    k1, k2 = jax.random.split(key)
    x = jax.random.normal(k1, (BATCH, SEQ, D_MODEL), dtype=jnp.float32)
    segment = jax.random.randint(k2, (BATCH, SEQ), 0, MAX_LEN + 1, dtype=jnp.int32)
    pe = _build_pe(D_MODEL, MAX_LEN)
    return {"x": x, "segment": segment, "pe": pe}


def reference(x, segment, pe):
    # torch.nn.functional.embedding(segment, pe, padding_idx=0)
    emb = jnp.take(pe, segment, axis=0)
    # padding_idx=0: row 0 is all zeros anyway; mask keeps it faithful
    emb = jnp.where((segment != 0)[..., None], emb, 0.0)
    return x + emb

if __name__ == "__main__":
    import jax
    _d = setup_inputs()
    print(jax.jit(kernel)(*tuple(_d.values())))

</pallas_src>

<mosaic_0001>
#map = affine_map<(d0, d1) -> (0, 0)>
#map1 = affine_map<(d0, d1) -> (0)>
module attributes {stable_mosaic.version = 14 : i64} {
  func.func @k(%arg0: i32, %arg1: i32, %arg2: memref<32768x1024xf32, #tpu.memory_space<hbm>>, %arg3: memref<32768xi32, #tpu.memory_space<hbm>>, %arg4: memref<8193x1024xf32, #tpu.memory_space<hbm>>, %arg5: memref<32768x1024xf32, #tpu.memory_space<hbm>>, %arg6: memref<1024xi32, #tpu.memory_space<vmem>>, %arg7: memref<8x1024xf32, #tpu.memory_space<vmem>>, %arg8: memref<8x1024xf32, #tpu.memory_space<vmem>>, %arg9: memref<8x1024xf32, #tpu.memory_space<vmem>>, %arg10: memref<8x1024xf32, #tpu.memory_space<vmem>>, %arg11: memref<8x1024xf32, #tpu.memory_space<vmem>>, %arg12: memref<8x1024xf32, #tpu.memory_space<vmem>>, %arg13: memref<8x1024xf32, #tpu.memory_space<vmem>>, %arg14: memref<8x1024xf32, #tpu.memory_space<vmem>>, %arg15: memref<!tpu.dma_semaphore, #tpu.memory_space<semaphore_mem>>, %arg16: memref<!tpu.dma_semaphore, #tpu.memory_space<semaphore_mem>>, %arg17: memref<!tpu.dma_semaphore, #tpu.memory_space<semaphore_mem>>, %arg18: memref<!tpu.dma_semaphore, #tpu.memory_space<semaphore_mem>>, %arg19: memref<!tpu.dma_semaphore, #tpu.memory_space<semaphore_mem>>, %arg20: memref<!tpu.dma_semaphore, #tpu.memory_space<semaphore_mem>>, %arg21: memref<!tpu.dma_semaphore, #tpu.memory_space<semaphore_mem>>, %arg22: memref<!tpu.dma_semaphore, #tpu.memory_space<semaphore_mem>>, %arg23: memref<!tpu.dma_semaphore, #tpu.memory_space<semaphore_mem>>, %arg24: memref<!tpu.dma_semaphore, #tpu.memory_space<semaphore_mem>>, %arg25: memref<!tpu.dma_semaphore, #tpu.memory_space<semaphore_mem>>, %arg26: memref<!tpu.dma_semaphore, #tpu.memory_space<semaphore_mem>>) attributes {dimension_semantics = [#tpu.dimension_semantics<core_parallel>, #tpu.dimension_semantics<subcore_parallel>], iteration_bounds = array<i64: 2, 16>, scalar_prefetch = 0 : i64, scratch_operands = 21 : i64, tpu.core_type = #tpu.core_type<sc_vector_subcore>, window_params = [{transform_indices = #map}, {transform_indices = #map1}, {transform_indices = #map}, {transform_indices = #map}]} {
    %mul3A = arith.constant 2 : i32
    %mul3A_0 = arith.muli %arg1, %mul3A : i32
    %add3A = arith.addi %mul3A_0, %arg0 : i32
    %mul3A_1 = arith.constant 1024 : i32
    %mul3A_2 = arith.muli %add3A, %mul3A_1 : i32
    "tpu.region"() ({
      %run_scoped3A = tpu.sem_alloc : memref<!tpu.dma_semaphore, #tpu.memory_space<semaphore_mem>>
      %dma_start3A_44 = tpu.memref_slice %arg3[%mul3A_2] : memref<32768xi32, #tpu.memory_space<hbm>> -> memref<1024xi32, #tpu.memory_space<hbm>>
      %dma_start3A_45 = tpu.memref_slice %arg3[%mul3A_2] : memref<32768xi32, #tpu.memory_space<hbm>> -> memref<1024xi32, #tpu.memory_space<hbm>>
      tpu.enqueue_dma source(%dma_start3A_45 : memref<1024xi32, #tpu.memory_space<hbm>>) target(%arg6 : memref<1024xi32, #tpu.memory_space<vmem>>) target_semaphore(%run_scoped3A : memref<!tpu.dma_semaphore, #tpu.memory_space<semaphore_mem>>)
      %dma_wait3A_46 = tpu.memref_slice %arg3[%mul3A_2] : memref<32768xi32, #tpu.memory_space<hbm>> -> memref<1024xi32, #tpu.memory_space<hbm>>
      %dma_wait3A_47 = tpu.memref_slice %arg3[%mul3A_2] : memref<32768xi32, #tpu.memory_space<hbm>> -> memref<1024xi32, #tpu.memory_space<hbm>>
      tpu.wait_dma2 semaphore(%run_scoped3A : memref<!tpu.dma_semaphore, #tpu.memory_space<semaphore_mem>>) src(%dma_wait3A_47 : memref<1024xi32, #tpu.memory_space<hbm>>) dst(%arg6 : memref<1024xi32, #tpu.memory_space<vmem>>)
      tpu.yield
    }) : () -> ()
    %dma_start3A = arith.constant 0 : i32
    %dma_start3A_3 = tpu.memref_slice %arg6[%dma_start3A] : memref<1024xi32, #tpu.memory_space<vmem>> -> memref<8xi32, #tpu.memory_space<vmem>>
    %dma_start3A_4 = arith.constant 0 : i32
    %dma_start3A_5 = arith.constant 0 : i32
    %dma_start3A_6 = tpu.memref_slice %arg4[%dma_start3A_4, %dma_start3A_5] : memref<8193x1024xf32, #tpu.memory_space<hbm>> -> memref<8193x1024xf32, #tpu.memory_space<hbm>>
    tpu.enqueue_indirect_dma source(%dma_start3A_6 : memref<8193x1024xf32, #tpu.memory_space<hbm>>) target(%arg7 : memref<8x1024xf32, #tpu.memory_space<vmem>>) offsets(%dma_start3A_3 : memref<8xi32, #tpu.memory_space<vmem>>) semaphore(%arg15 : memref<!tpu.dma_semaphore, #tpu.memory_space<semaphore_mem>>)
    %add3A_7 = arith.constant 0 : i32
    %add3A_8 = arith.addi %mul3A_2, %add3A_7 : i32
    %dma_start3A_9 = arith.constant 0 : i32
    %dma_start3A_10 = tpu.memref_slice %arg2[%add3A_8, %dma_start3A_9] : memref<32768x1024xf32, #tpu.memory_space<hbm>> -> memref<8x1024xf32, #tpu.memory_space<hbm>>
    %dma_start3A_11 = arith.constant 0 : i32
    %dma_start3A_12 = tpu.memref_slice %arg2[%add3A_8, %dma_start3A_11] : memref<32768x1024xf32, #tpu.memory_space<hbm>> -> memref<8x1024xf32, #tpu.memory_space<hbm>>
    tpu.enqueue_dma source(%dma_start3A_12 : memref<8x1024xf32, #tpu.memory_space<hbm>>) target(%arg11 : memref<8x1024xf32, #tpu.memory_space<vmem>>) target_semaphore(%arg19 : memref<!tpu.dma_semaphore, #tpu.memory_space<semaphore_mem>>)
    %dma_start3A_13 = arith.constant 8 : i32
    %dma_start3A_14 = tpu.memref_slice %arg6[%dma_start3A_13] : memref<1024xi32, #tpu.memory_space<vmem>> -> memref<8xi32, #tpu.memory_space<vmem>>
    %dma_start3A_15 = arith.constant 0 : i32
    %dma_start3A_16 = arith.constant 0 : i32
    %dma_start3A_17 = tpu.memref_slice %arg4[%dma_start3A_15, %dma_start3A_16] : memref<8193x1024xf32, #tpu.memory_space<hbm>> -> memref<8193x1024xf32, #tpu.memory_space<hbm>>
    tpu.enqueue_indirect_dma source(%dma_start3A_17 : memref<8193x1024xf32, #tpu.memory_space<hbm>>) target(%arg8 : memref<8x1024xf32, #tpu.memory_space<vmem>>) offsets(%dma_start3A_14 : memref<8xi32, #tpu.memory_space<vmem>>) semaphore(%arg16 : memref<!tpu.dma_semaphore, #tpu.memory_space<semaphore_mem>>)
    %add3A_18 = arith.constant 8 : i32
    %add3A_19 = arith.addi %mul3A_2, %add3A_18 : i32
    %dma_start3A_20 = arith.constant 0 : i32
    %dma_start3A_21 = tpu.memref_slice %arg2[%add3A_19, %dma_start3A_20] : memref<32768x1024xf32, #tpu.memory_space<hbm>> -> memref<8x1024xf32, #tpu.memory_space<hbm>>
    %dma_start3A_22 = arith.constant 0 : i32
    %dma_start3A_23 = tpu.memref_slice %arg2[%add3A_19, %dma_start3A_22] : memref<32768x1024xf32, #tpu.memory_space<hbm>> -> memref<8x1024xf32, #tpu.memory_space<hbm>>
    tpu.enqueue_dma source(%dma_start3A_23 : memref<8x1024xf32, #tpu.memory_space<hbm>>) target(%arg12 : memref<8x1024xf32, #tpu.memory_space<vmem>>) target_semaphore(%arg20 : memref<!tpu.dma_semaphore, #tpu.memory_space<semaphore_mem>>)
    %dma_start3A_24 = arith.constant 16 : i32
    %dma_start3A_25 = tpu.memref_slice %arg6[%dma_start3A_24] : memref<1024xi32, #tpu.memory_space<vmem>> -> memref<8xi32, #tpu.memory_space<vmem>>
    %dma_start3A_26 = arith.constant 0 : i32
    %dma_start3A_27 = arith.constant 0 : i32
    %dma_start3A_28 = tpu.memref_slice %arg4[%dma_start3A_26, %dma_start3A_27] : memref<8193x1024xf32, #tpu.memory_space<hbm>> -> memref<8193x1024xf32, #tpu.memory_space<hbm>>
    tpu.enqueue_indirect_dma source(%dma_start3A_28 : memref<8193x1024xf32, #tpu.memory_space<hbm>>) target(%arg9 : memref<8x1024xf32, #tpu.memory_space<vmem>>) offsets(%dma_start3A_25 : memref<8xi32, #tpu.memory_space<vmem>>) semaphore(%arg17 : memref<!tpu.dma_semaphore, #tpu.memory_space<semaphore_mem>>)
    %add3A_29 = arith.constant 16 : i32
    %add3A_30 = arith.addi %mul3A_2, %add3A_29 : i32
    %dma_start3A_31 = arith.constant 0 : i32
    %dma_start3A_32 = tpu.memref_slice %arg2[%add3A_30, %dma_start3A_31] : memref<32768x1024xf32, #tpu.memory_space<hbm>> -> memref<8x1024xf32, #tpu.memory_space<hbm>>
    %dma_start3A_33 = arith.constant 0 : i32
    %dma_start3A_34 = tpu.memref_slice %arg2[%add3A_30, %dma_start3A_33] : memref<32768x1024xf32, #tpu.memory_space<hbm>> -> memref<8x1024xf32, #tpu.memory_space<hbm>>
    tpu.enqueue_dma source(%dma_start3A_34 : memref<8x1024xf32, #tpu.memory_space<hbm>>) target(%arg13 : memref<8x1024xf32, #tpu.memory_space<vmem>>) target_semaphore(%arg21 : memref<!tpu.dma_semaphore, #tpu.memory_space<semaphore_mem>>)
    %scan3A = arith.constant 0 : i32
    %scan3A_35 = arith.constant 32 : i32
    %scan3A_36 = arith.addi %scan3A, %scan3A_35 : i32
    %scan3A_37 = arith.constant 1 : i32
    scf.for %scan3A_44 = %scan3A to %scan3A_36 step %scan3A_37  : i32 {
      %mul3A_45 = arith.constant 4 : i32
      %mul3A_46 = arith.muli %scan3A_44, %mul3A_45 : i32
      %add3A_47 = arith.constant 0 : i32
      %add3A_48 = arith.addi %add3A_47, %mul3A_46 : i32
      %add3A_49 = arith.constant 0 : i32
      %add3A_50 = arith.addi %add3A_48, %add3A_49 : i32
      %mul3A_51 = arith.constant 8 : i32
      %mul3A_52 = arith.muli %add3A_50, %mul3A_51 : i32
      %dma_wait3A_53 = tpu.memref_slice %arg6[%mul3A_52] : memref<1024xi32, #tpu.memory_space<vmem>> -> memref<8xi32, #tpu.memory_space<vmem>>
      %dma_wait3A_54 = arith.constant 0 : i32
      %dma_wait3A_55 = arith.constant 0 : i32
      %dma_wait3A_56 = tpu.memref_slice %arg4[%dma_wait3A_54, %dma_wait3A_55] : memref<8193x1024xf32, #tpu.memory_space<hbm>> -> memref<8193x1024xf32, #tpu.memory_space<hbm>>
      tpu.wait_indirect_dma semaphore(%arg15 : memref<!tpu.dma_semaphore, #tpu.memory_space<semaphore_mem>>) src(%dma_wait3A_56 : memref<8193x1024xf32, #tpu.memory_space<hbm>>) dst(%arg7 : memref<8x1024xf32, #tpu.memory_space<vmem>>)
      %mul3A_57 = arith.constant 8 : i32
      %mul3A_58 = arith.muli %add3A_50, %mul3A_57 : i32
      %add3A_59 = arith.addi %mul3A_2, %mul3A_58 : i32
      %dma_wait3A_60 = arith.constant 0 : i32
      %dma_wait3A_61 = tpu.memref_slice %arg2[%add3A_59, %dma_wait3A_60] : memref<32768x1024xf32, #tpu.memory_space<hbm>> -> memref<8x1024xf32, #tpu.memory_space<hbm>>
      %dma_wait3A_62 = arith.constant 0 : i32
      %dma_wait3A_63 = tpu.memref_slice %arg2[%add3A_59, %dma_wait3A_62] : memref<32768x1024xf32, #tpu.memory_space<hbm>> -> memref<8x1024xf32, #tpu.memory_space<hbm>>
      tpu.wait_dma2 semaphore(%arg19 : memref<!tpu.dma_semaphore, #tpu.memory_space<semaphore_mem>>) src(%dma_wait3A_63 : memref<8x1024xf32, #tpu.memory_space<hbm>>) dst(%arg11 : memref<8x1024xf32, #tpu.memory_space<vmem>>)
      %ge3A = arith.constant 1 : i32
      %ge3A_64 = arith.cmpi sge, %add3A_50, %ge3A : i32
      %convert_element_type3A = arith.extui %ge3A_64 : i1 to i32
      %cond3A = arith.constant 0 : i32
      %cond3A_65 = arith.cmpi ne, %convert_element_type3A, %cond3A : i32
      scf.if %cond3A_65 {
        %sub3A_199 = arith.constant 1 : i32
        %sub3A_200 = arith.subi %add3A_50, %sub3A_199 : i32
        %mul3A_201 = arith.constant 8 : i32
        %mul3A_202 = arith.muli %sub3A_200, %mul3A_201 : i32
        %add3A_203 = arith.addi %mul3A_2, %mul3A_202 : i32
        %dma_wait3A_204 = arith.constant 0 : i32
        %dma_wait3A_205 = tpu.memref_slice %arg5[%add3A_203, %dma_wait3A_204] : memref<32768x1024xf32, #tpu.memory_space<hbm>> -> memref<8x1024xf32, #tpu.memory_space<hbm>>
        %dma_wait3A_206 = arith.constant 0 : i32
        %dma_wait3A_207 = tpu.memref_slice %arg5[%add3A_203, %dma_wait3A_206] : memref<32768x1024xf32, #tpu.memory_space<hbm>> -> memref<8x1024xf32, #tpu.memory_space<hbm>>
        tpu.wait_dma2 semaphore(%arg26 : memref<!tpu.dma_semaphore, #tpu.memory_space<semaphore_mem>>) src(%arg10 : memref<8x1024xf32, #tpu.memory_space<vmem>>) dst(%dma_wait3A_207 : memref<8x1024xf32, #tpu.memory_space<hbm>>)
      } else {
      }
      %add3A_66 = arith.constant 4 : i32
      %add3A_67 = arith.addi %add3A_50, %add3A_66 : i32
      %sub3A = arith.constant 1 : i32
      %sub3A_68 = arith.subi %add3A_67, %sub3A : i32
      %lt3A = arith.constant 128 : i32
      %lt3A_69 = arith.cmpi slt, %sub3A_68, %lt3A : i32
      %convert_element_type3A_70 = arith.extui %lt3A_69 : i1 to i32
      %cond3A_71 = arith.constant 0 : i32
      %cond3A_72 = arith.cmpi ne, %convert_element_type3A_70, %cond3A_71 : i32
      scf.if %cond3A_72 {
        %add3A_199 = arith.constant 4 : i32
        %add3A_200 = arith.addi %add3A_50, %add3A_199 : i32
        %sub3A_201 = arith.constant 1 : i32
        %sub3A_202 = arith.subi %add3A_200, %sub3A_201 : i32
        %mul3A_203 = arith.constant 8 : i32
        %mul3A_204 = arith.muli %sub3A_202, %mul3A_203 : i32
        %dma_start3A_205 = tpu.memref_slice %arg6[%mul3A_204] : memref<1024xi32, #tpu.memory_space<vmem>> -> memref<8xi32, #tpu.memory_space<vmem>>
        %dma_start3A_206 = arith.constant 0 : i32
        %dma_start3A_207 = arith.constant 0 : i32
        %dma_start3A_208 = tpu.memref_slice %arg4[%dma_start3A_206, %dma_start3A_207] : memref<8193x1024xf32, #tpu.memory_space<hbm>> -> memref<8193x1024xf32, #tpu.memory_space<hbm>>
        tpu.enqueue_indirect_dma source(%dma_start3A_208 : memref<8193x1024xf32, #tpu.memory_space<hbm>>) target(%arg10 : memref<8x1024xf32, #tpu.memory_space<vmem>>) offsets(%dma_start3A_205 : memref<8xi32, #tpu.memory_space<vmem>>) semaphore(%arg18 : memref<!tpu.dma_semaphore, #tpu.memory_space<semaphore_mem>>)
        %mul3A_209 = arith.constant 8 : i32
        %mul3A_210 = arith.muli %sub3A_202, %mul3A_209 : i32
        %add3A_211 = arith.addi %mul3A_2, %mul3A_210 : i32
        %dma_start3A_212 = arith.constant 0 : i32
        %dma_start3A_213 = tpu.memref_slice %arg2[%add3A_211, %dma_start3A_212] : memref<32768x1024xf32, #tpu.memory_space<hbm>> -> memref<8x1024xf32, #tpu.memory_space<hbm>>
        %dma_start3A_214 = arith.constant 0 : i32
        %dma_start3A_215 = tpu.memref_slice %arg2[%add3A_211, %dma_start3A_214] : memref<32768x1024xf32, #tpu.memory_space<hbm>> -> memref<8x1024xf32, #tpu.memory_space<hbm>>
        tpu.enqueue_dma source(%dma_start3A_215 : memref<8x1024xf32, #tpu.memory_space<hbm>>) target(%arg14 : memref<8x1024xf32, #tpu.memory_space<vmem>>) target_semaphore(%arg22 : memref<!tpu.dma_semaphore, #tpu.memory_space<semaphore_mem>>)
      } else {
      }
      %parallel_loop3A = arith.constant 0 : i32
      %parallel_loop3A_73 = arith.constant 512 : i32
      %parallel_loop3A_74 = arith.constant 1 : i32
      scf.for %parallel_loop3A_199 = %parallel_loop3A to %parallel_loop3A_73 step %parallel_loop3A_74  : i32 {
        %parallel_loop3A_200 = arith.constant 6 : i32
        %parallel_loop3A_201 = arith.shrui %parallel_loop3A_199, %parallel_loop3A_200 : i32
        %parallel_loop3A_202 = arith.constant 63 : i32
        %parallel_loop3A_203 = arith.andi %parallel_loop3A_199, %parallel_loop3A_202 : i32
        %parallel_loop3A_204 = arith.constant 4 : i32
        %parallel_loop3A_205 = arith.shli %parallel_loop3A_203, %parallel_loop3A_204 : i32
        %parallel_loop3A_206 = tpu.assume_multiple %parallel_loop3A_205, 16 : i32
        %parallel_loop3A_207 = arith.index_cast %parallel_loop3A_201 : i32 to index
        %parallel_loop3A_208 = arith.index_cast %parallel_loop3A_206 : i32 to index
        %parallel_loop3A_209 = tpu.vector_load %arg11[%parallel_loop3A_207, %parallel_loop3A_208] {strides = array<i32>} : memref<8x1024xf32, #tpu.memory_space<vmem>>, vector<1x16xf32>,
        %parallel_loop3A_210 = vector.shape_cast %parallel_loop3A_209 : vector<1x16xf32> to vector<16xf32>
        %parallel_loop3A_211 = arith.index_cast %parallel_loop3A_201 : i32 to index
        %parallel_loop3A_212 = arith.index_cast %parallel_loop3A_206 : i32 to index
        %parallel_loop3A_213 = tpu.vector_load %arg7[%parallel_loop3A_211, %parallel_loop3A_212] {strides = array<i32>} : memref<8x1024xf32, #tpu.memory_space<vmem>>, vector<1x16xf32>,
        %parallel_loop3A_214 = vector.shape_cast %parallel_loop3A_213 : vector<1x16xf32> to vector<16xf32>
        %parallel_loop3A_215 = vector.shape_cast %parallel_loop3A_210 : vector<16xf32> to vector<1x16xf32>
        tpu.vector_store %arg7[%parallel_loop3A_211, %parallel_loop3A_212], %parallel_loop3A_215 {add = true, strides = array<i32>} : memref<8x1024xf32, #tpu.memory_space<vmem>>, vector<1x16xf32>,
      } {sc.loop_unroll_factor = 16 : i64, sc.parallel_access}
      %mul3A_75 = arith.constant 8 : i32
      %mul3A_76 = arith.muli %add3A_50, %mul3A_75 : i32
      %add3A_77 = arith.addi %mul3A_2, %mul3A_76 : i32
      %dma_start3A_78 = arith.constant 0 : i32
      %dma_start3A_79 = tpu.memref_slice %arg5[%add3A_77, %dma_start3A_78] : memref<32768x1024xf32, #tpu.memory_space<hbm>> -> memref<8x1024xf32, #tpu.memory_space<hbm>>
      %dma_start3A_80 = arith.constant 0 : i32
      %dma_start3A_81 = tpu.memref_slice %arg5[%add3A_77, %dma_start3A_80] : memref<32768x1024xf32, #tpu.memory_space<hbm>> -> memref<8x1024xf32, #tpu.memory_space<hbm>>
      tpu.enqueue_dma source(%arg7 : memref<8x1024xf32, #tpu.memory_space<vmem>>) target(%dma_start3A_81 : memref<8x1024xf32, #tpu.memory_space<hbm>>) target_semaphore(%arg23 : memref<!tpu.dma_semaphore, #tpu.memory_space<semaphore_mem>>)
      %add3A_82 = arith.constant 1 : i32
      %add3A_83 = arith.addi %add3A_48, %add3A_82 : i32
      %mul3A_84 = arith.constant 8 : i32
      %mul3A_85 = arith.muli %add3A_83, %mul3A_84 : i32
      %dma_wait3A_86 = tpu.memref_slice %arg6[%mul3A_85] : memref<1024xi32, #tpu.memory_space<vmem>> -> memref<8xi32, #tpu.memory_space<vmem>>
      %dma_wait3A_87 = arith.constant 0 : i32
      %dma_wait3A_88 = arith.constant 0 : i32
      %dma_wait3A_89 = tpu.memref_slice %arg4[%dma_wait3A_87, %dma_wait3A_88] : memref<8193x1024xf32, #tpu.memory_space<hbm>> -> memref<8193x1024xf32, #tpu.memory_space<hbm>>
      tpu.wait_indirect_dma semaphore(%arg16 : memref<!tpu.dma_semaphore, #tpu.memory_space<semaphore_mem>>) src(%dma_wait3A_89 : memref<8193x1024xf32, #tpu.memory_space<hbm>>) dst(%arg8 : memref<8x1024xf32, #tpu.memory_space<vmem>>)
      %mul3A_90 = arith.constant 8 : i32
      %mul3A_91 = arith.muli %add3A_83, %mul3A_90 : i32
      %add3A_92 = arith.addi %mul3A_2, %mul3A_91 : i32
      %dma_wait3A_93 = arith.constant 0 : i32
      %dma_wait3A_94 = tpu.memref_slice %arg2[%add3A_92, %dma_wait3A_93] : memref<32768x1024xf32, #tpu.memory_space<hbm>> -> memref<8x1024xf32, #tpu.memory_space<hbm>>
      %dma_wait3A_95 = arith.constant 0 : i32
      %dma_wait3A_96 = tpu.memref_slice %arg2[%add3A_92, %dma_wait3A_95] : memref<32768x1024xf32, #tpu.memory_space<hbm>> -> memref<8x1024xf32, #tpu.memory_space<hbm>>
      tpu.wait_dma2 semaphore(%arg20 : memref<!tpu.dma_semaphore, #tpu.memory_space<semaphore_mem>>) src(%dma_wait3A_96 : memref<8x1024xf32, #tpu.memory_space<hbm>>) dst(%arg12 : memref<8x1024xf32, #tpu.memory_space<vmem>>)
      %ge3A_97 = arith.constant 1 : i32
      %ge3A_98 = arith.cmpi sge, %add3A_83, %ge3A_97 : i32
      %convert_element_type3A_99 = arith.extui %ge3A_98 : i1 to i32
      %cond3A_100 = arith.constant 0 : i32
      %cond3A_101 = arith.cmpi ne, %convert_element_type3A_99, %cond3A_100 : i32
      scf.if %cond3A_101 {
        %sub3A_199 = arith.constant 1 : i32
        %sub3A_200 = arith.subi %add3A_83, %sub3A_199 : i32
        %mul3A_201 = arith.constant 8 : i32
        %mul3A_202 = arith.muli %sub3A_200, %mul3A_201 : i32
        %add3A_203 = arith.addi %mul3A_2, %mul3A_202 : i32
        %dma_wait3A_204 = arith.constant 0 : i32
        %dma_wait3A_205 = tpu.memref_slice %arg5[%add3A_203, %dma_wait3A_204] : memref<32768x1024xf32, #tpu.memory_space<hbm>> -> memref<8x1024xf32, #tpu.memory_space<hbm>>
        %dma_wait3A_206 = arith.constant 0 : i32
        %dma_wait3A_207 = tpu.memref_slice %arg5[%add3A_203, %dma_wait3A_206] : memref<32768x1024xf32, #tpu.memory_space<hbm>> -> memref<8x1024xf32, #tpu.memory_space<hbm>>
        tpu.wait_dma2 semaphore(%arg23 : memref<!tpu.dma_semaphore, #tpu.memory_space<semaphore_mem>>) src(%arg7 : memref<8x1024xf32, #tpu.memory_space<vmem>>) dst(%dma_wait3A_207 : memref<8x1024xf32, #tpu.memory_space<hbm>>)
      } else {
      }
      %add3A_102 = arith.constant 4 : i32
      %add3A_103 = arith.addi %add3A_83, %add3A_102 : i32
      %sub3A_104 = arith.constant 1 : i32
      %sub3A_105 = arith.subi %add3A_103, %sub3A_104 : i32
      %lt3A_106 = arith.constant 128 : i32
      %lt3A_107 = arith.cmpi slt, %sub3A_105, %lt3A_106 : i32
      %convert_element_type3A_108 = arith.extui %lt3A_107 : i1 to i32
      %cond3A_109 = arith.constant 0 : i32
      %cond3A_110 = arith.cmpi ne, %convert_element_type3A_108, %cond3A_109 : i32
      scf.if %cond3A_110 {
        %add3A_199 = arith.constant 4 : i32
        %add3A_200 = arith.addi %add3A_83, %add3A_199 : i32
        %sub3A_201 = arith.constant 1 : i32
        %sub3A_202 = arith.subi %add3A_200, %sub3A_201 : i32
        %mul3A_203 = arith.constant 8 : i32
        %mul3A_204 = arith.muli %sub3A_202, %mul3A_203 : i32
        %dma_start3A_205 = tpu.memref_slice %arg6[%mul3A_204] : memref<1024xi32, #tpu.memory_space<vmem>> -> memref<8xi32, #tpu.memory_space<vmem>>
        %dma_start3A_206 = arith.constant 0 : i32
        %dma_start3A_207 = arith.constant 0 : i32
        %dma_start3A_208 = tpu.memref_slice %arg4[%dma_start3A_206, %dma_start3A_207] : memref<8193x1024xf32, #tpu.memory_space<hbm>> -> memref<8193x1024xf32, #tpu.memory_space<hbm>>
        tpu.enqueue_indirect_dma source(%dma_start3A_208 : memref<8193x1024xf32, #tpu.memory_space<hbm>>) target(%arg7 : memref<8x1024xf32, #tpu.memory_space<vmem>>) offsets(%dma_start3A_205 : memref<8xi32, #tpu.memory_space<vmem>>) semaphore(%arg15 : memref<!tpu.dma_semaphore, #tpu.memory_space<semaphore_mem>>)
        %mul3A_209 = arith.constant 8 : i32
        %mul3A_210 = arith.muli %sub3A_202, %mul3A_209 : i32
        %add3A_211 = arith.addi %mul3A_2, %mul3A_210 : i32
        %dma_start3A_212 = arith.constant 0 : i32
        %dma_start3A_213 = tpu.memref_slice %arg2[%add3A_211, %dma_start3A_212] : memref<32768x1024xf32, #tpu.memory_space<hbm>> -> memref<8x1024xf32, #tpu.memory_space<hbm>>
        %dma_start3A_214 = arith.constant 0 : i32
        %dma_start3A_215 = tpu.memref_slice %arg2[%add3A_211, %dma_start3A_214] : memref<32768x1024xf32, #tpu.memory_space<hbm>> -> memref<8x1024xf32, #tpu.memory_space<hbm>>
        tpu.enqueue_dma source(%dma_start3A_215 : memref<8x1024xf32, #tpu.memory_space<hbm>>) target(%arg11 : memref<8x1024xf32, #tpu.memory_space<vmem>>) target_semaphore(%arg19 : memref<!tpu.dma_semaphore, #tpu.memory_space<semaphore_mem>>)
      } else {
      }
      %parallel_loop3A_111 = arith.constant 0 : i32
      %parallel_loop3A_112 = arith.constant 512 : i32
      %parallel_loop3A_113 = arith.constant 1 : i32
      scf.for %parallel_loop3A_199 = %parallel_loop3A_111 to %parallel_loop3A_112 step %parallel_loop3A_113  : i32 {
        %parallel_loop3A_200 = arith.constant 6 : i32
        %parallel_loop3A_201 = arith.shrui %parallel_loop3A_199, %parallel_loop3A_200 : i32
        %parallel_loop3A_202 = arith.constant 63 : i32
        %parallel_loop3A_203 = arith.andi %parallel_loop3A_199, %parallel_loop3A_202 : i32
        %parallel_loop3A_204 = arith.constant 4 : i32
        %parallel_loop3A_205 = arith.shli %parallel_loop3A_203, %parallel_loop3A_204 : i32
        %parallel_loop3A_206 = tpu.assume_multiple %parallel_loop3A_205, 16 : i32
        %parallel_loop3A_207 = arith.index_cast %parallel_loop3A_201 : i32 to index
        %parallel_loop3A_208 = arith.index_cast %parallel_loop3A_206 : i32 to index
        %parallel_loop3A_209 = tpu.vector_load %arg12[%parallel_loop3A_207, %parallel_loop3A_208] {strides = array<i32>} : memref<8x1024xf32, #tpu.memory_space<vmem>>, vector<1x16xf32>,
        %parallel_loop3A_210 = vector.shape_cast %parallel_loop3A_209 : vector<1x16xf32> to vector<16xf32>
        %parallel_loop3A_211 = arith.index_cast %parallel_loop3A_201 : i32 to index
        %parallel_loop3A_212 = arith.index_cast %parallel_loop3A_206 : i32 to index
        %parallel_loop3A_213 = tpu.vector_load %arg8[%parallel_loop3A_211, %parallel_loop3A_212] {strides = array<i32>} : memref<8x1024xf32, #tpu.memory_space<vmem>>, vector<1x16xf32>,
        %parallel_loop3A_214 = vector.shape_cast %parallel_loop3A_213 : vector<1x16xf32> to vector<16xf32>
        %parallel_loop3A_215 = vector.shape_cast %parallel_loop3A_210 : vector<16xf32> to vector<1x16xf32>
        tpu.vector_store %arg8[%parallel_loop3A_211, %parallel_loop3A_212], %parallel_loop3A_215 {add = true, strides = array<i32>} : memref<8x1024xf32, #tpu.memory_space<vmem>>, vector<1x16xf32>,
      } {sc.loop_unroll_factor = 16 : i64, sc.parallel_access}
      %mul3A_114 = arith.constant 8 : i32
      %mul3A_115 = arith.muli %add3A_83, %mul3A_114 : i32
      %add3A_116 = arith.addi %mul3A_2, %mul3A_115 : i32
      %dma_start3A_117 = arith.constant 0 : i32
      %dma_start3A_118 = tpu.memref_slice %arg5[%add3A_116, %dma_start3A_117] : memref<32768x1024xf32, #tpu.memory_space<hbm>> -> memref<8x1024xf32, #tpu.memory_space<hbm>>
      %dma_start3A_119 = arith.constant 0 : i32
      %dma_start3A_120 = tpu.memref_slice %arg5[%add3A_116, %dma_start3A_119] : memref<32768x1024xf32, #tpu.memory_space<hbm>> -> memref<8x1024xf32, #tpu.memory_space<hbm>>
      tpu.enqueue_dma source(%arg8 : memref<8x1024xf32, #tpu.memory_space<vmem>>) target(%dma_start3A_120 : memref<8x1024xf32, #tpu.memory_space<hbm>>) target_semaphore(%arg24 : memref<!tpu.dma_semaphore, #tpu.memory_space<semaphore_mem>>)
      %add3A_121 = arith.constant 2 : i32
      %add3A_122 = arith.addi %add3A_48, %add3A_121 : i32
      %mul3A_123 = arith.constant 8 : i32
      %mul3A_124 = arith.muli %add3A_122, %mul3A_123 : i32
      %dma_wait3A_125 = tpu.memref_slice %arg6[%mul3A_124] : memref<1024xi32, #tpu.memory_space<vmem>> -> memref<8xi32, #tpu.memory_space<vmem>>
      %dma_wait3A_126 = arith.constant 0 : i32
      %dma_wait3A_127 = arith.constant 0 : i32
      %dma_wait3A_128 = tpu.memref_slice %arg4[%dma_wait3A_126, %dma_wait3A_127] : memref<8193x1024xf32, #tpu.memory_space<hbm>> -> memref<8193x1024xf32, #tpu.memory_space<hbm>>
      tpu.wait_indirect_dma semaphore(%arg17 : memref<!tpu.dma_semaphore, #tpu.memory_space<semaphore_mem>>) src(%dma_wait3A_128 : memref<8193x1024xf32, #tpu.memory_space<hbm>>) dst(%arg9 : memref<8x1024xf32, #tpu.memory_space<vmem>>)
      %mul3A_129 = arith.constant 8 : i32
      %mul3A_130 = arith.muli %add3A_122, %mul3A_129 : i32
      %add3A_131 = arith.addi %mul3A_2, %mul3A_130 : i32
      %dma_wait3A_132 = arith.constant 0 : i32
      %dma_wait3A_133 = tpu.memref_slice %arg2[%add3A_131, %dma_wait3A_132] : memref<32768x1024xf32, #tpu.memory_space<hbm>> -> memref<8x1024xf32, #tpu.memory_space<hbm>>
      %dma_wait3A_134 = arith.constant 0 : i32
      %dma_wait3A_135 = tpu.memref_slice %arg2[%add3A_131, %dma_wait3A_134] : memref<32768x1024xf32, #tpu.memory_space<hbm>> -> memref<8x1024xf32, #tpu.memory_space<hbm>>
      tpu.wait_dma2 semaphore(%arg21 : memref<!tpu.dma_semaphore, #tpu.memory_space<semaphore_mem>>) src(%dma_wait3A_135 : memref<8x1024xf32, #tpu.memory_space<hbm>>) dst(%arg13 : memref<8x1024xf32, #tpu.memory_space<vmem>>)
      %ge3A_136 = arith.constant 1 : i32
      %ge3A_137 = arith.cmpi sge, %add3A_122, %ge3A_136 : i32
      %convert_element_type3A_138 = arith.extui %ge3A_137 : i1 to i32
      %cond3A_139 = arith.constant 0 : i32
      %cond3A_140 = arith.cmpi ne, %convert_element_type3A_138, %cond3A_139 : i32
      scf.if %cond3A_140 {
        %sub3A_199 = arith.constant 1 : i32
        %sub3A_200 = arith.subi %add3A_122, %sub3A_199 : i32
        %mul3A_201 = arith.constant 8 : i32
        %mul3A_202 = arith.muli %sub3A_200, %mul3A_201 : i32
        %add3A_203 = arith.addi %mul3A_2, %mul3A_202 : i32
        %dma_wait3A_204 = arith.constant 0 : i32
        %dma_wait3A_205 = tpu.memref_slice %arg5[%add3A_203, %dma_wait3A_204] : memref<32768x1024xf32, #tpu.memory_space<hbm>> -> memref<8x1024xf32, #tpu.memory_space<hbm>>
        %dma_wait3A_206 = arith.constant 0 : i32
        %dma_wait3A_207 = tpu.memref_slice %arg5[%add3A_203, %dma_wait3A_206] : memref<32768x1024xf32, #tpu.memory_space<hbm>> -> memref<8x1024xf32, #tpu.memory_space<hbm>>
        tpu.wait_dma2 semaphore(%arg24 : memref<!tpu.dma_semaphore, #tpu.memory_space<semaphore_mem>>) src(%arg8 : memref<8x1024xf32, #tpu.memory_space<vmem>>) dst(%dma_wait3A_207 : memref<8x1024xf32, #tpu.memory_space<hbm>>)
      } else {
      }
      %add3A_141 = arith.constant 4 : i32
      %add3A_142 = arith.addi %add3A_122, %add3A_141 : i32
      %sub3A_143 = arith.constant 1 : i32
      %sub3A_144 = arith.subi %add3A_142, %sub3A_143 : i32
      %lt3A_145 = arith.constant 128 : i32
      %lt3A_146 = arith.cmpi slt, %sub3A_144, %lt3A_145 : i32
      %convert_element_type3A_147 = arith.extui %lt3A_146 : i1 to i32
      %cond3A_148 = arith.constant 0 : i32
      %cond3A_149 = arith.cmpi ne, %convert_element_type3A_147, %cond3A_148 : i32
      scf.if %cond3A_149 {
        %add3A_199 = arith.constant 4 : i32
        %add3A_200 = arith.addi %add3A_122, %add3A_199 : i32
        %sub3A_201 = arith.constant 1 : i32
        %sub3A_202 = arith.subi %add3A_200, %sub3A_201 : i32
        %mul3A_203 = arith.constant 8 : i32
        %mul3A_204 = arith.muli %sub3A_202, %mul3A_203 : i32
        %dma_start3A_205 = tpu.memref_slice %arg6[%mul3A_204] : memref<1024xi32, #tpu.memory_space<vmem>> -> memref<8xi32, #tpu.memory_space<vmem>>
        %dma_start3A_206 = arith.constant 0 : i32
        %dma_start3A_207 = arith.constant 0 : i32
        %dma_start3A_208 = tpu.memref_slice %arg4[%dma_start3A_206, %dma_start3A_207] : memref<8193x1024xf32, #tpu.memory_space<hbm>> -> memref<8193x1024xf32, #tpu.memory_space<hbm>>
        tpu.enqueue_indirect_dma source(%dma_start3A_208 : memref<8193x1024xf32, #tpu.memory_space<hbm>>) target(%arg8 : memref<8x1024xf32, #tpu.memory_space<vmem>>) offsets(%dma_start3A_205 : memref<8xi32, #tpu.memory_space<vmem>>) semaphore(%arg16 : memref<!tpu.dma_semaphore, #tpu.memory_space<semaphore_mem>>)
        %mul3A_209 = arith.constant 8 : i32
        %mul3A_210 = arith.muli %sub3A_202, %mul3A_209 : i32
        %add3A_211 = arith.addi %mul3A_2, %mul3A_210 : i32
        %dma_start3A_212 = arith.constant 0 : i32
        %dma_start3A_213 = tpu.memref_slice %arg2[%add3A_211, %dma_start3A_212] : memref<32768x1024xf32, #tpu.memory_space<hbm>> -> memref<8x1024xf32, #tpu.memory_space<hbm>>
        %dma_start3A_214 = arith.constant 0 : i32
        %dma_start3A_215 = tpu.memref_slice %arg2[%add3A_211, %dma_start3A_214] : memref<32768x1024xf32, #tpu.memory_space<hbm>> -> memref<8x1024xf32, #tpu.memory_space<hbm>>
        tpu.enqueue_dma source(%dma_start3A_215 : memref<8x1024xf32, #tpu.memory_space<hbm>>) target(%arg12 : memref<8x1024xf32, #tpu.memory_space<vmem>>) target_semaphore(%arg20 : memref<!tpu.dma_semaphore, #tpu.memory_space<semaphore_mem>>)
      } else {
      }
      %parallel_loop3A_150 = arith.constant 0 : i32
      %parallel_loop3A_151 = arith.constant 512 : i32
      %parallel_loop3A_152 = arith.constant 1 : i32
      scf.for %parallel_loop3A_199 = %parallel_loop3A_150 to %parallel_loop3A_151 step %parallel_loop3A_152  : i32 {
        %parallel_loop3A_200 = arith.constant 6 : i32
        %parallel_loop3A_201 = arith.shrui %parallel_loop3A_199, %parallel_loop3A_200 : i32
        %parallel_loop3A_202 = arith.constant 63 : i32
        %parallel_loop3A_203 = arith.andi %parallel_loop3A_199, %parallel_loop3A_202 : i32
        %parallel_loop3A_204 = arith.constant 4 : i32
        %parallel_loop3A_205 = arith.shli %parallel_loop3A_203, %parallel_loop3A_204 : i32
        %parallel_loop3A_206 = tpu.assume_multiple %parallel_loop3A_205, 16 : i32
        %parallel_loop3A_207 = arith.index_cast %parallel_loop3A_201 : i32 to index
        %parallel_loop3A_208 = arith.index_cast %parallel_loop3A_206 : i32 to index
        %parallel_loop3A_209 = tpu.vector_load %arg13[%parallel_loop3A_207, %parallel_loop3A_208] {strides = array<i32>} : memref<8x1024xf32, #tpu.memory_space<vmem>>, vector<1x16xf32>,
        %parallel_loop3A_210 = vector.shape_cast %parallel_loop3A_209 : vector<1x16xf32> to vector<16xf32>
        %parallel_loop3A_211 = arith.index_cast %parallel_loop3A_201 : i32 to index
        %parallel_loop3A_212 = arith.index_cast %parallel_loop3A_206 : i32 to index
        %parallel_loop3A_213 = tpu.vector_load %arg9[%parallel_loop3A_211, %parallel_loop3A_212] {strides = array<i32>} : memref<8x1024xf32, #tpu.memory_space<vmem>>, vector<1x16xf32>,
        %parallel_loop3A_214 = vector.shape_cast %parallel_loop3A_213 : vector<1x16xf32> to vector<16xf32>
        %parallel_loop3A_215 = vector.shape_cast %parallel_loop3A_210 : vector<16xf32> to vector<1x16xf32>
        tpu.vector_store %arg9[%parallel_loop3A_211, %parallel_loop3A_212], %parallel_loop3A_215 {add = true, strides = array<i32>} : memref<8x1024xf32, #tpu.memory_space<vmem>>, vector<1x16xf32>,
      } {sc.loop_unroll_factor = 16 : i64, sc.parallel_access}
      %mul3A_153 = arith.constant 8 : i32
      %mul3A_154 = arith.muli %add3A_122, %mul3A_153 : i32
      %add3A_155 = arith.addi %mul3A_2, %mul3A_154 : i32
      %dma_start3A_156 = arith.constant 0 : i32
      %dma_start3A_157 = tpu.memref_slice %arg5[%add3A_155, %dma_start3A_156] : memref<32768x1024xf32, #tpu.memory_space<hbm>> -> memref<8x1024xf32, #tpu.memory_space<hbm>>
      %dma_start3A_158 = arith.constant 0 : i32
      %dma_start3A_159 = tpu.memref_slice %arg5[%add3A_155, %dma_start3A_158] : memref<32768x1024xf32, #tpu.memory_space<hbm>> -> memref<8x1024xf32, #tpu.memory_space<hbm>>
      tpu.enqueue_dma source(%arg9 : memref<8x1024xf32, #tpu.memory_space<vmem>>) target(%dma_start3A_159 : memref<8x1024xf32, #tpu.memory_space<hbm>>) target_semaphore(%arg25 : memref<!tpu.dma_semaphore, #tpu.memory_space<semaphore_mem>>)
      %add3A_160 = arith.constant 3 : i32
      %add3A_161 = arith.addi %add3A_48, %add3A_160 : i32
      %mul3A_162 = arith.constant 8 : i32
      %mul3A_163 = arith.muli %add3A_161, %mul3A_162 : i32
      %dma_wait3A_164 = tpu.memref_slice %arg6[%mul3A_163] : memref<1024xi32, #tpu.memory_space<vmem>> -> memref<8xi32, #tpu.memory_space<vmem>>
      %dma_wait3A_165 = arith.constant 0 : i32
      %dma_wait3A_166 = arith.constant 0 : i32
      %dma_wait3A_167 = tpu.memref_slice %arg4[%dma_wait3A_165, %dma_wait3A_166] : memref<8193x1024xf32, #tpu.memory_space<hbm>> -> memref<8193x1024xf32, #tpu.memory_space<hbm>>
      tpu.wait_indirect_dma semaphore(%arg18 : memref<!tpu.dma_semaphore, #tpu.memory_space<semaphore_mem>>) src(%dma_wait3A_167 : memref<8193x1024xf32, #tpu.memory_space<hbm>>) dst(%arg10 : memref<8x1024xf32, #tpu.memory_space<vmem>>)
      %mul3A_168 = arith.constant 8 : i32
      %mul3A_169 = arith.muli %add3A_161, %mul3A_168 : i32
      %add3A_170 = arith.addi %mul3A_2, %mul3A_169 : i32
      %dma_wait3A_171 = arith.constant 0 : i32
      %dma_wait3A_172 = tpu.memref_slice %arg2[%add3A_170, %dma_wait3A_171] : memref<32768x1024xf32, #tpu.memory_space<hbm>> -> memref<8x1024xf32, #tpu.memory_space<hbm>>
      %dma_wait3A_173 = arith.constant 0 : i32
      %dma_wait3A_174 = tpu.memref_slice %arg2[%add3A_170, %dma_wait3A_173] : memref<32768x1024xf32, #tpu.memory_space<hbm>> -> memref<8x1024xf32, #tpu.memory_space<hbm>>
      tpu.wait_dma2 semaphore(%arg22 : memref<!tpu.dma_semaphore, #tpu.memory_space<semaphore_mem>>) src(%dma_wait3A_174 : memref<8x1024xf32, #tpu.memory_space<hbm>>) dst(%arg14 : memref<8x1024xf32, #tpu.memory_space<vmem>>)
      %ge3A_175 = arith.constant 1 : i32
      %ge3A_176 = arith.cmpi sge, %add3A_161, %ge3A_175 : i32
      %convert_element_type3A_177 = arith.extui %ge3A_176 : i1 to i32
      %cond3A_178 = arith.constant 0 : i32
      %cond3A_179 = arith.cmpi ne, %convert_element_type3A_177, %cond3A_178 : i32
      scf.if %cond3A_179 {
        %sub3A_199 = arith.constant 1 : i32
        %sub3A_200 = arith.subi %add3A_161, %sub3A_199 : i32
        %mul3A_201 = arith.constant 8 : i32
        %mul3A_202 = arith.muli %sub3A_200, %mul3A_201 : i32
        %add3A_203 = arith.addi %mul3A_2, %mul3A_202 : i32
        %dma_wait3A_204 = arith.constant 0 : i32
        %dma_wait3A_205 = tpu.memref_slice %arg5[%add3A_203, %dma_wait3A_204] : memref<32768x1024xf32, #tpu.memory_space<hbm>> -> memref<8x1024xf32, #tpu.memory_space<hbm>>
        %dma_wait3A_206 = arith.constant 0 : i32
        %dma_wait3A_207 = tpu.memref_slice %arg5[%add3A_203, %dma_wait3A_206] : memref<32768x1024xf32, #tpu.memory_space<hbm>> -> memref<8x1024xf32, #tpu.memory_space<hbm>>
        tpu.wait_dma2 semaphore(%arg25 : memref<!tpu.dma_semaphore, #tpu.memory_space<semaphore_mem>>) src(%arg9 : memref<8x1024xf32, #tpu.memory_space<vmem>>) dst(%dma_wait3A_207 : memref<8x1024xf32, #tpu.memory_space<hbm>>)
      } else {
      }
      %add3A_180 = arith.constant 4 : i32
      %add3A_181 = arith.addi %add3A_161, %add3A_180 : i32
      %sub3A_182 = arith.constant 1 : i32
      %sub3A_183 = arith.subi %add3A_181, %sub3A_182 : i32
      %lt3A_184 = arith.constant 128 : i32
      %lt3A_185 = arith.cmpi slt, %sub3A_183, %lt3A_184 : i32
      %convert_element_type3A_186 = arith.extui %lt3A_185 : i1 to i32
      %cond3A_187 = arith.constant 0 : i32
      %cond3A_188 = arith.cmpi ne, %convert_element_type3A_186, %cond3A_187 : i32
      scf.if %cond3A_188 {
        %add3A_199 = arith.constant 4 : i32
        %add3A_200 = arith.addi %add3A_161, %add3A_199 : i32
        %sub3A_201 = arith.constant 1 : i32
        %sub3A_202 = arith.subi %add3A_200, %sub3A_201 : i32
        %mul3A_203 = arith.constant 8 : i32
        %mul3A_204 = arith.muli %sub3A_202, %mul3A_203 : i32
        %dma_start3A_205 = tpu.memref_slice %arg6[%mul3A_204] : memref<1024xi32, #tpu.memory_space<vmem>> -> memref<8xi32, #tpu.memory_space<vmem>>
        %dma_start3A_206 = arith.constant 0 : i32
        %dma_start3A_207 = arith.constant 0 : i32
        %dma_start3A_208 = tpu.memref_slice %arg4[%dma_start3A_206, %dma_start3A_207] : memref<8193x1024xf32, #tpu.memory_space<hbm>> -> memref<8193x1024xf32, #tpu.memory_space<hbm>>
        tpu.enqueue_indirect_dma source(%dma_start3A_208 : memref<8193x1024xf32, #tpu.memory_space<hbm>>) target(%arg9 : memref<8x1024xf32, #tpu.memory_space<vmem>>) offsets(%dma_start3A_205 : memref<8xi32, #tpu.memory_space<vmem>>) semaphore(%arg17 : memref<!tpu.dma_semaphore, #tpu.memory_space<semaphore_mem>>)
        %mul3A_209 = arith.constant 8 : i32
        %mul3A_210 = arith.muli %sub3A_202, %mul3A_209 : i32
        %add3A_211 = arith.addi %mul3A_2, %mul3A_210 : i32
        %dma_start3A_212 = arith.constant 0 : i32
        %dma_start3A_213 = tpu.memref_slice %arg2[%add3A_211, %dma_start3A_212] : memref<32768x1024xf32, #tpu.memory_space<hbm>> -> memref<8x1024xf32, #tpu.memory_space<hbm>>
        %dma_start3A_214 = arith.constant 0 : i32
        %dma_start3A_215 = tpu.memref_slice %arg2[%add3A_211, %dma_start3A_214] : memref<32768x1024xf32, #tpu.memory_space<hbm>> -> memref<8x1024xf32, #tpu.memory_space<hbm>>
        tpu.enqueue_dma source(%dma_start3A_215 : memref<8x1024xf32, #tpu.memory_space<hbm>>) target(%arg13 : memref<8x1024xf32, #tpu.memory_space<vmem>>) target_semaphore(%arg21 : memref<!tpu.dma_semaphore, #tpu.memory_space<semaphore_mem>>)
      } else {
      }
      %parallel_loop3A_189 = arith.constant 0 : i32
      %parallel_loop3A_190 = arith.constant 512 : i32
      %parallel_loop3A_191 = arith.constant 1 : i32
      scf.for %parallel_loop3A_199 = %parallel_loop3A_189 to %parallel_loop3A_190 step %parallel_loop3A_191  : i32 {
        %parallel_loop3A_200 = arith.constant 6 : i32
        %parallel_loop3A_201 = arith.shrui %parallel_loop3A_199, %parallel_loop3A_200 : i32
        %parallel_loop3A_202 = arith.constant 63 : i32
        %parallel_loop3A_203 = arith.andi %parallel_loop3A_199, %parallel_loop3A_202 : i32
        %parallel_loop3A_204 = arith.constant 4 : i32
        %parallel_loop3A_205 = arith.shli %parallel_loop3A_203, %parallel_loop3A_204 : i32
        %parallel_loop3A_206 = tpu.assume_multiple %parallel_loop3A_205, 16 : i32
        %parallel_loop3A_207 = arith.index_cast %parallel_loop3A_201 : i32 to index
        %parallel_loop3A_208 = arith.index_cast %parallel_loop3A_206 : i32 to index
        %parallel_loop3A_209 = tpu.vector_load %arg14[%parallel_loop3A_207, %parallel_loop3A_208] {strides = array<i32>} : memref<8x1024xf32, #tpu.memory_space<vmem>>, vector<1x16xf32>,
        %parallel_loop3A_210 = vector.shape_cast %parallel_loop3A_209 : vector<1x16xf32> to vector<16xf32>
        %parallel_loop3A_211 = arith.index_cast %parallel_loop3A_201 : i32 to index
        %parallel_loop3A_212 = arith.index_cast %parallel_loop3A_206 : i32 to index
        %parallel_loop3A_213 = tpu.vector_load %arg10[%parallel_loop3A_211, %parallel_loop3A_212] {strides = array<i32>} : memref<8x1024xf32, #tpu.memory_space<vmem>>, vector<1x16xf32>,
        %parallel_loop3A_214 = vector.shape_cast %parallel_loop3A_213 : vector<1x16xf32> to vector<16xf32>
        %parallel_loop3A_215 = vector.shape_cast %parallel_loop3A_210 : vector<16xf32> to vector<1x16xf32>
        tpu.vector_store %arg10[%parallel_loop3A_211, %parallel_loop3A_212], %parallel_loop3A_215 {add = true, strides = array<i32>} : memref<8x1024xf32, #tpu.memory_space<vmem>>, vector<1x16xf32>,
      } {sc.loop_unroll_factor = 16 : i64, sc.parallel_access}
      %mul3A_192 = arith.constant 8 : i32
      %mul3A_193 = arith.muli %add3A_161, %mul3A_192 : i32
      %add3A_194 = arith.addi %mul3A_2, %mul3A_193 : i32
      %dma_start3A_195 = arith.constant 0 : i32
      %dma_start3A_196 = tpu.memref_slice %arg5[%add3A_194, %dma_start3A_195] : memref<32768x1024xf32, #tpu.memory_space<hbm>> -> memref<8x1024xf32, #tpu.memory_space<hbm>>
      %dma_start3A_197 = arith.constant 0 : i32
      %dma_start3A_198 = tpu.memref_slice %arg5[%add3A_194, %dma_start3A_197] : memref<32768x1024xf32, #tpu.memory_space<hbm>> -> memref<8x1024xf32, #tpu.memory_space<hbm>>
      tpu.enqueue_dma source(%arg10 : memref<8x1024xf32, #tpu.memory_space<vmem>>) target(%dma_start3A_198 : memref<8x1024xf32, #tpu.memory_space<hbm>>) target_semaphore(%arg26 : memref<!tpu.dma_semaphore, #tpu.memory_space<semaphore_mem>>)
    }
    %scan3A_38 = arith.constant 32 : i32
    %add3A_39 = arith.constant 1016 : i32
    %add3A_40 = arith.addi %mul3A_2, %add3A_39 : i32
    %dma_wait3A = arith.constant 0 : i32
    %dma_wait3A_41 = tpu.memref_slice %arg5[%add3A_40, %dma_wait3A] : memref<32768x1024xf32, #tpu.memory_space<hbm>> -> memref<8x1024xf32, #tpu.memory_space<hbm>>
    %dma_wait3A_42 = arith.constant 0 : i32
    %dma_wait3A_43 = tpu.memref_slice %arg5[%add3A_40, %dma_wait3A_42] : memref<32768x1024xf32, #tpu.memory_space<hbm>> -> memref<8x1024xf32, #tpu.memory_space<hbm>>
    tpu.wait_dma2 semaphore(%arg26 : memref<!tpu.dma_semaphore, #tpu.memory_space<semaphore_mem>>) src(%arg10 : memref<8x1024xf32, #tpu.memory_space<vmem>>) dst(%dma_wait3A_43 : memref<8x1024xf32, #tpu.memory_space<hbm>>)
    return
  }
}

</mosaic_0001>

<sc_bundles>
// kernel: kernel.3.cloned.1.call-start
scs
__scs_entry_jumppad:
0x0: {  	(pc) =	sbr.rel $0x88, $3  }
0x1: {  	(tag) =	ssettag $0x0;
	lr =	simm.s32 $0x1  }
0x2: {  	[smem:$0x3F9E] =	sst lr;
	_ =	strace $0xD0000000  }
0x3: {  	_ = 	snop  }
0x4: {  	_ = 	snop  }
0x5: {  	_ = 	snop  }
0x6: {  	_ = 	snop  }
0x7: {  	_ = 	snop  }
__scs_overlays_trampoline_lowered:
0x8: {  	[smem:$0x3FAD] =	sst s0  }
0x9: {  	[smem:$0x3FAE] =	sst s1  }
0xa: {  	[smem:$0x3FAF] =	sst s2  }
0xb: {  	[smem:$0x3FB0] =	sst s3  }
0xc: {  	[smem:$0x3FB1] =	sst s4  }
0xd: {  	[smem:$0x3FB2] =	sst s5  }
0xe: {  	[smem:$0x3FB3] =	sst s6  }
0xf: {  	[smem:$0x3FB4] =	sst s7  }
0x10: {  	[smem:$0x3FB5] =	sst s8  }
0x11: {  	[smem:$0x3FB6] =	sst s9;
	s0 =	simm.s32 @!p0 $0x0  }
0x12: {  	s1 =	sld [smem:$0x3F9C];
	s0 =	simm.s32 @p0 $0x1  }
0x13: {  	[smem:$0x3FB7] =	sst s0;
	s0 =	simm.s32 @!p1 $0x0  }
0x14: {  	s2 =	sld [smem:$0x3F9B];
	s0 =	simm.s32 @p1 $0x1  }
0x15: {  	[smem:$0x3FB8] =	sst s0;
	s0 =	simm.s32 @!p2 $0x0  }
0x16: {  	s3 =	sld [smem:$0x3FDB];
	s0 =	simm.s32 @p2 $0x1  }
0x17: {  	s4 =	simm.s32 $0x1BF5;
	[smem:$0x3FBA] =	sst s0  }
0x18: {  	s0 =	sld [smem:$0x3F9D];
	_ =	swait.ge [sflag:s4], $0x0  }
0x19: {  	s7 =	sld [smem:$0x3F9E]  }
0x1a: {  	s8 =	sadd.s32 $0xFFFFE003, lr  }
0x1b: {  	s9 =	sadd.s32 $0xFFFFFEF7, lr;
	s5 =	simm.s32 $0xFFFFFFFF;
	p2 =	slt.u32 s8, $0xFFFFF086  }
0x1c: {  	p1 =	slt.u32 s9, $0xF7A;
	s5 =	simm.s32 @!p2 $0x0  }
0x1d: {  	s5 =	simm.s32 @p1 $0x1;
	p0 =	seq.s32 s7, s2  }
0x1e: {  	s7 =	smul.u32 @!p0 $0xF7A, s2;
	p2 =	seq.s32 @!p0 s5, $0x0  }
0x1f: {  	s9 =	smul.u32 $0xF7A, s1;
	s8 =	simm.s32 @!p0 $0x1BF5;
	p2 =	por !p2, p0  }
0x20: {  	[sflag:s8] =	ssyncset.s32 @!p0 $0xFFFFF086;
	s6 =	sadd.s32 @!p0 s3, s7;
	s7 =	simm.s32 @!p0 $0x108  }
0x21: {  	s3 =	sadd.s32 s3, s9;
	s6 =	sadd.s32 @!p0 $0x88, s6;
	s7 =	simm.s32 @p2 $0x1082  }
0x22: {  	[simem:s7], [sflag:s8] =	dma.local @!p0 [hbm:s6], $0xF7A  }
0x23: {  	s9 =	sor.u32 $0xD0000000, s2;
	s6 =	simm.s32 $0x108;
	_ =	swait.ge @!p0 [sflag:s8], $0x0  }
0x24: {  	s3 =	sadd.s32 $0x88, s3;
	s6 =	simm.s32 @!p1 $0x1082;
	[sflag:s4] =	ssyncset.s32 $0xFFFFF086  }
0x25: {  	[simem:s6], [sflag:s4] =	dma.local [hbm:s3], $0xF7A  }
0x26: {  	[smem:$0x3F9E] =	sst s1;
	(tag) =	ssettag s2;
	_ =	strace s9  }
0x27: {  	s1 =	sld [smem:$0x3FAE]  }
0x28: {  	s2 =	sld [smem:$0x3FAF]  }
0x29: {  	s4 =	sld [smem:$0x3FB1]  }
0x2a: {  	p0 =	seq.s32 s5, $0x0;
	s5 =	sld [smem:$0x3FB2]  }
0x2b: {  	s6 =	sld [smem:$0x3FB3]  }
0x2c: {  	s7 =	sld [smem:$0x3FB4]  }
0x2d: {  	s3 =	simm.s32 $0x108;
	s8 =	sld [smem:$0x3FB5]  }
0x2e: {  	s3 =	simm.s32 @!p0 $0x1082;
	s9 =	sld [smem:$0x3FB6]  }
0x2f: {  	lr =	sadd.s32 s0, s3;
	s0 =	sld [smem:$0x3FAD]  }
0x30: {  	s3 =	sld [smem:$0x3FB0]  }
0x31: {  	[smem:$0x3FB9] =	sst s10  }
0x32: {  	s10 =	sld [smem:$0x3FB7];
	_ =	sdelay $0x3  }
0x33: {  	p0 =	seq.s32 s10, $0x1;
	s10 =	sld [smem:$0x3FB9];
	_ =	sdelay $0x3  }
0x34: {  	[smem:$0x3FB9] =	sst s10  }
0x35: {  	s10 =	sld [smem:$0x3FB8];
	_ =	sdelay $0x3  }
0x36: {  	p1 =	seq.s32 s10, $0x1;
	s10 =	sld [smem:$0x3FB9];
	_ =	sdelay $0x3  }
0x37: {  	[smem:$0x3FB9] =	sst s10  }
0x38: {  	s10 =	sld [smem:$0x3FBA]  }
0x39: {  	_ = 	snop;
	(pc) =	sbr.ind lr, $3  }
0x3a: {  	_ = 	snop  }
0x3b: {  	_ = 	snop  }
0x3c: {  	p2 =	seq.s32 s10, $0x1;
	s10 =	sld [smem:$0x3FB9]  }
0x3d: {  	_ =	shalt  }
0x3e: {  	_ =	shalt  }
0x3f: {  	_ =	shalt  }
0x40: {  	_ =	shalt  }
0x41: {  	_ =	shalt  }
0x42: {  	_ =	shalt  }
0x43: {  	_ =	shalt  }
0x44: {  	_ =	shalt  }
0x45: {  	_ =	shalt  }
0x46: {  	_ =	shalt  }
0x47: {  	_ =	shalt  }
0x48: {  	_ =	shalt  }
0x49: {  	_ =	shalt  }
0x4a: {  	_ =	shalt  }
0x4b: {  	_ =	shalt  }
0x4c: {  	_ =	shalt  }
0x4d: {  	_ =	shalt  }
0x4e: {  	_ =	shalt  }
0x4f: {  	_ =	shalt  }
0x50: {  	_ =	shalt  }
0x51: {  	_ =	shalt  }
0x52: {  	_ =	shalt  }
0x53: {  	_ =	shalt  }
0x54: {  	_ =	shalt  }
0x55: {  	_ =	shalt  }
0x56: {  	_ =	shalt  }
0x57: {  	_ =	shalt  }
0x58: {  	_ =	shalt  }
0x59: {  	_ =	shalt  }
0x5a: {  	_ =	shalt  }
0x5b: {  	_ =	shalt  }
0x5c: {  	_ =	shalt  }
0x5d: {  	_ =	shalt  }
0x5e: {  	_ =	shalt  }
0x5f: {  	_ =	shalt  }
0x60: {  	_ =	shalt  }
0x61: {  	_ =	shalt  }
0x62: {  	_ =	shalt  }
0x63: {  	_ =	shalt  }
0x64: {  	_ =	shalt  }
0x65: {  	_ =	shalt  }
0x66: {  	_ =	shalt  }
0x67: {  	_ =	shalt  }
0x68: {  	_ =	shalt  }
0x69: {  	_ =	shalt  }
0x6a: {  	_ =	shalt  }
0x6b: {  	_ =	shalt  }
0x6c: {  	_ =	shalt  }
0x6d: {  	_ =	shalt  }
0x6e: {  	_ =	shalt  }
0x6f: {  	_ =	shalt  }
0x70: {  	_ =	shalt  }
0x71: {  	_ =	shalt  }
0x72: {  	_ =	shalt  }
0x73: {  	_ =	shalt  }
0x74: {  	_ =	shalt  }
0x75: {  	_ =	shalt  }
0x76: {  	_ =	shalt  }
0x77: {  	_ =	shalt  }
0x78: {  	_ =	shalt  }
0x79: {  	_ =	shalt  }
0x7a: {  	_ =	shalt  }
0x7b: {  	_ =	shalt  }
0x7c: {  	_ =	shalt  }
0x7d: {  	_ =	shalt  }
0x7e: {  	_ =	shalt  }
0x7f: {  	_ =	shalt  }
0x80: {  	_ =	shalt  }
0x81: {  	_ =	shalt  }
0x82: {  	_ =	shalt  }
0x83: {  	_ =	shalt  }
0x84: {  	_ =	shalt  }
0x85: {  	_ =	shalt  }
0x86: {  	_ =	shalt  }
0x87: {  	_ =	shalt  }
.Lfunc_end0:
.L_simem_size_0:
called_computation_lowered:
.L_overlay_start_0:
0x88: {  	s2 =	sld [smem:$0x3FD9]  }
0x89: {  	s3 =	sld [smem:$0x3FFE];
	_ =	sdelay $0x1  }
0x8a: {  	s1 =	srdreg.scid  }
0x8b: {  	s0 =	sand.u32 $0x1, s1  }
0x8c: {  	s17 =	sshll.u32 s0, $0xA;
	s2 =	sadd.s32 s3, s2  }
0x8d: {  	s2 =	sadd.s32 s2, s17  }
0x8e: {  	[smem:$0x3FC5] =	sst s2  }
0x8f: {  	_ = 	snop  }
0x90: {  	s2 =	sld [smem:$0x3FC9]  }
0x91: {  	s18 =	sld [smem:$0x3FC7]  }
0x92: {  	s4 =	sld [smem:$0x3FD0];
	(tm) =	ssettm $0x1  }
0x93: {  	s5 =	sld [smem:$0x3FFB];
	_ =	sdelay $0x3  }
0x94: {  	_ =	strace s5  }
0x95: {  	s5 =	sld [smem:$0x3FFC];
	_ =	sdelay $0x3  }
0x96: {  	_ =	strace s5  }
0x97: {  	s5 =	sld [smem:$0x3FFD];
	_ =	sdelay $0x3  }
0x98: {  	_ =	strace s5  }
0x99: {  	_ =	strace $0x8FFFFFFF  }
0x9a: {  	s19 =	sld [smem:$0x3FDB];
	_ =	sdelay $0x1  }
0x9b: {  	s6 =	simm.s32 $_scs_section_size  }
0x9c: {  	s7 =	simm.s32 $_size__tile_overlayer_lowered;
	s8 =	simm.s32 $_tile_overlayer_lowered  }
0x9d: {  	s22 =	simm.s32 $0x1BFF;
	s21 =	sshll.u32 s8, $0x1;
	s5 =	sadd.s32 s6, s19  }
0x9e: {  	s9 =	simm.s32 $0x0;
	s20 =	sshll.u32 s7, $0x1;
	s7 =	sadd.s32 s21, s5  }
0x9f: {  	[timem:s9], [sflag:s22] =	dma.local [hbm:s7], s20  }
0xa0: {  	_ =	swait.ge [sflag:s22], s20  }
0xa1: {  	s6 =	ssub.s32 $0x0, s20;
	[sflag:s22] =	ssyncset.done $0x0  }
0xa2: {  	[sflag:s22] =	ssyncadd.s32 s6;
	_ =	sdelay $0x1  }
0xa3: {  	s23 =	simm.s32 $0x1B8B  }
0xa4: {  	_ =	swait.ge [sflag:s23], $0x1  }
0xa5: {  	[sflag:s23] =	ssyncset.done $0x0  }
0xa6: {  	s25 =	simm.s32 $0x1B8E;
	s24 =	sld [smem:$0x3FFE];
	[sflag:s23] =	ssyncadd.s32 $0xFFFFFFFF  }
0xa7: {  	s26 =	simm.s32 $execute0_lowered;
	[smem:$0x3FD2] =	sst s25  }
0xa8: {  	s7 =	sshll.u32 s26, $0x1;
	_ =	strace $0x80000046;
	[dreg:$0x1] =	wrdreg $0xFFFFFFFF  }
0xa9: {  	s28 =	simm.s32 $_size_execute0_lowered;
	s5 =	sadd.s32 s5, s7;
	[dreg:$0x0] =	wrdreg $0x0  }
0xaa: {  	s7 =	sshll.u32 s28, $0x1;
	[dreg:$0x2] =	wrdreg s5  }
0xab: {  	[dreg:$0x3] =	wrdreg s7  }
0xac: {  	[dreg:$0x4] =	wrdreg $0xC0  }
0xad: {  	_ =	task [dreg:s9], $0x5FFFF  }
0xae: {  	[dreg:$0x1] =	wrdreg $0xFFFFFFFF  }
0xaf: {  	[dreg:$0x0] =	wrdreg $0x60  }
0xb0: {  	[dreg:$0x2] =	wrdreg s2  }
0xb1: {  	[dreg:$0x3] =	wrdreg s24  }
0xb2: {  	[dreg:$0x4] =	wrdreg s18  }
0xb3: {  	[dreg:$0x5] =	wrdreg s4  }
0xb4: {  	[dreg:$0x6] =	wrdreg $0x9  }
0xb5: {  	_ =	task.clear_ibuf [dreg:s9], $0x7FFFF;
	_ =	strace $0x90000046  }
0xb6: {  	s29 =	simm.s32 $0x9;
	_ =	strace $0x80000048  }
0xb7: {  	_ =	swait.ge [sflag:s29], $0x1  }
0xb8: {  	[sflag:s29] =	ssyncadd.s32 $0xFFFFFFFF  }
0xb9: {  	_ =	strace $0x90000048  }
0xba: {  	_ =	sfence  }
0xbb: {  	s30 =	sld [smem:$0x0];
	_ =	sdelay $0x2  }
0xbc: {  	s31 =	sshll.u32 s1, $0xD;
	s1 =	sshrl.u32 s1, $0x2  }
0xbd: {  	s3 =	sand.u32 $0x4000, s31;
	s1 =	sadd.s32 s1, s30  }
0xbe: {  	s0 =	sor.u32 s3, s0;
	s1 =	sshll.u32 s1, $0x11  }
0xbf: {  	s0 =	sor.u32 s1, s0  }
0xc0: {  	s0 =	sadd.s32 $0x8F2B, s0  }
0xc1: {  	[sflag:s0] =	ssyncadd.remote.s32 $0x1  }
0xc2: {  	_ =	sfence.sel $0xFFFF  }
0xc3: {  	[dreg:$0x0] =	wrdreg $0xFFFFFFFF;
	(pc) =	sbr.abs _section_cstart, $3  }
0xc4: {  	[dreg:$0x1] =	wrdreg $0xFFFFFFFF  }
0xc5: {  	_ =	task.clear_ibuf [dreg:s9], $0x2FFFF;
	_ =	strace $0x9FFFFFFF  }
0xc6: {  	(tm) =	ssettm $0x7FFFFFFF  }
0xc7: {  	_ =	shalt  }
tec
execute0_lowered:
.L_overlay_start_1:
0x0: {  	(tag) =	ssettag $0x1  }
0x1: {  	s1 =	rddreg [dreg:$0x0]  }
0x2: {  	s0 =	rddreg [dreg:$0x1]  }
0x3: {  	s2 =	srdreg.scid;
	s3 =	rddreg [dreg:$0x2]  }
0x4: {  	s4 =	stileid.u32;
	s8 =	rddreg [dreg:$0x3];
	s5 =	simm.s32 $0x0  }
0x5: {  	s13 =	simm.s32 $0x4;
	s14 =	simm.s32 $0x8;
	s2 =	sand.u32 $0x1, s2  }
0x6: {  	s6 =	sshll.u32 s4, $0xB;
	[smem:$0x7FF] =	sst s5;
	s7 =	sshll.u32 s2, $0xA  }
0x7: {  	s2 =	ssub.s32 $0x2, s2;
	_ =	strace $0x80000047;
	s6 =	sor.u32 s7, s6  }
0x8: {  	s26 =	sshrl.u32 s2, $0x1;
	s25 =	sshrl.u32 s6, $0x3;
	s28 =	sshll.u32 s6, $0x7  }
0x9: {  	s2 =	ssub.s32 s2, s26;
	[dreg:$0x5] =	wrdreg s25;
	s29 =	sadd.s32 s1, s28  }
0xa: {  	s0 =	sadd.s32 s25, s0;
	s31 =	smax.u32 s2, $0x1;
	[dreg:$0x7] =	wrdreg s29  }
0xb: {  	s16 =	simm.s32 $0xB;
	s0 =	sadd.s32 $0x400, s0;
	[dreg:$0xb] =	wrdreg s31  }
0xc: {  	s9 =	sadd.s32 $0x100, s3;
	s30 =	sadd.s32 $0x400, s29;
	[dreg:$0x6] =	wrdreg s0  }
0xd: {  	v0 =	vlaneseq.u32;
	s10 =	sadd.s32 $0x200, s3;
	s4 =	sadd.s32 $0x800, s29;
	[dreg:$0x8] =	wrdreg s30  }
0xe: {  	s12 =	sadd.s32 $0x300, s3;
	v1 =	vshrl.u32 v0, $0x3;
	[dreg:$0x9] =	wrdreg s4;
	s0 =	sadd.s32 s8, s28  }
0xf: {  	vm0 =	vmmov $0xffff;
	v0 =	vand.u32 $0x7, v0;
	v1 =	vmul.u32 $0x8, v1;
	s7 =	simm.s32 $0x0;
	s4 =	simm.s32 $0x6400;
	[dreg:$0xa] =	wrdreg s0  }
.LBB2_1:
0x10: {  	[dreg:$0xc] =	wrdreg s7  }
0x11: {  	s0 =	rddreg [dreg:$0x6];
	s2 =	simm.s32 $0xD  }
0x12: {  	[tilespmem:s5], [sflag:$0xD] =	stream.linear.gather [hbm4b:s0+s5], $0x400, $0x38;
	[tilespmem:$0x10400] =	vst v63  }
0x13: {  	_ =	swait.ge [sflag:s2], $0x400  }
0x14: {  	[sflag:s2] =	ssyncset.done $0x0  }
0x15: {  	[sflag:s2] =	ssyncadd.s32 $0xFFFFFC00  }
0x16: {  	v2 =	vld.msk [tilespmem:$0x0], $0xff;
	_ =	sdelay $0x4  }
0x17: {  	v3 =	vshll.u32 v2, $0x3  }
0x18: {  	v2 =	vand.u32 $0x7, v2;
	v3 =	vand.u32 $0xFFFFFFC0, v3  }
0x19: {  	v2 =	vor.u32 v2, v3  }
0x1a: {  	v2 =	vperm.xlane v2, v0;
	_ =	sdelay $0x1  }
0x1b: {  	v2 =	vadd.s32 v1, v2;
	_ =	sdelay $0x3  }
0x1c: {  	s7 =	simm.s32 $0x400  }
0x1d: {  	[tilespmem:s7], [sflag:$0x1] =	stream.indirect_vreg.gather [hbm4b:s3+s5], $0x80, v2, vm0, $0xb8;
	[tilespmem:$0x10400] =	vst v63  }
0x1e: {  	s11 =	simm.s32 $0xC00  }
0x1f: {  	[tilespmem:s11], [sflag:$0x1] =	stream.indirect_vreg.gather [hbm4b:s9+s5], $0x80, v2, vm0, $0xb8;
	[tilespmem:$0x10400] =	vst v63  }
0x20: {  	s15 =	simm.s32 $0x1400  }
0x21: {  	[tilespmem:s15], [sflag:$0x1] =	stream.indirect_vreg.gather [hbm4b:s10+s5], $0x80, v2, vm0, $0xb8;
	[tilespmem:$0x10400] =	vst v63  }
0x22: {  	s17 =	simm.s32 $0x1C00  }
0x23: {  	[tilespmem:s17], [sflag:$0x1] =	stream.indirect_vreg.gather [hbm4b:s12+s5], $0x80, v2, vm0, $0xb8;
	[tilespmem:$0x10400] =	vst v63  }
0x24: {  	s18 =	rddreg [dreg:$0x7];
	s2 =	simm.s32 $0x8400  }
0x25: {  	[tilespmem:s2], [sflag:$0x5] =	stream.linear.gather [hbm4b:s18+s5], $0x2000, $0x38;
	[tilespmem:$0x10400] =	vst v63  }
0x26: {  	v2 =	vld.msk [tilespmem:$0x8], $0xff;
	_ =	sdelay $0x4  }
0x27: {  	v3 =	vshll.u32 v2, $0x3  }
0x28: {  	v2 =	vand.u32 $0x7, v2;
	v3 =	vand.u32 $0xFFFFFFC0, v3  }
0x29: {  	v2 =	vor.u32 v2, v3  }
0x2a: {  	v2 =	vperm.xlane v2, v0;
	_ =	sdelay $0x1  }
0x2b: {  	v2 =	vadd.s32 v1, v2;
	_ =	sdelay $0x3  }
0x2c: {  	s19 =	simm.s32 $0x2400  }
0x2d: {  	[tilespmem:s19], [sflag:$0x2] =	stream.indirect_vreg.gather [hbm4b:s3+s5], $0x80, v2, vm0, $0xb8;
	[tilespmem:$0x10400] =	vst v63  }
0x2e: {  	s20 =	simm.s32 $0x2C00  }
0x2f: {  	[tilespmem:s20], [sflag:$0x2] =	stream.indirect_vreg.gather [hbm4b:s9+s5], $0x80, v2, vm0, $0xb8;
	[tilespmem:$0x10400] =	vst v63  }
0x30: {  	s21 =	simm.s32 $0x3400  }
0x31: {  	[tilespmem:s21], [sflag:$0x2] =	stream.indirect_vreg.gather [hbm4b:s10+s5], $0x80, v2, vm0, $0xb8;
	[tilespmem:$0x10400] =	vst v63  }
0x32: {  	s22 =	simm.s32 $0x3C00  }
0x33: {  	[tilespmem:s22], [sflag:$0x2] =	stream.indirect_vreg.gather [hbm4b:s12+s5], $0x80, v2, vm0, $0xb8;
	[tilespmem:$0x10400] =	vst v63  }
0x34: {  	s24 =	simm.s32 $0xA400;
	s23 =	rddreg [dreg:$0x8]  }
0x35: {  	[tilespmem:s24], [sflag:$0x6] =	stream.linear.gather [hbm4b:s23+s5], $0x2000, $0x38;
	[tilespmem:$0x10400] =	vst v63  }
0x36: {  	v2 =	vld.msk [tilespmem:$0x10], $0xff;
	_ =	sdelay $0x4  }
0x37: {  	v3 =	vshll.u32 v2, $0x3  }
0x38: {  	v2 =	vand.u32 $0x7, v2;
	v3 =	vand.u32 $0xFFFFFFC0, v3  }
0x39: {  	v2 =	vor.u32 v2, v3  }
0x3a: {  	v2 =	vperm.xlane v2, v0;
	_ =	sdelay $0x1  }
0x3b: {  	v2 =	vadd.s32 v1, v2;
	_ =	sdelay $0x3  }
0x3c: {  	s25 =	simm.s32 $0x4400  }
0x3d: {  	[tilespmem:s25], [sflag:$0x3] =	stream.indirect_vreg.gather [hbm4b:s3+s5], $0x80, v2, vm0, $0xb8;
	[tilespmem:$0x10400] =	vst v63  }
0x3e: {  	s26 =	simm.s32 $0x4C00  }
0x3f: {  	[tilespmem:s26], [sflag:$0x3] =	stream.indirect_vreg.gather [hbm4b:s9+s5], $0x80, v2, vm0, $0xb8;
	[tilespmem:$0x10400] =	vst v63  }
0x40: {  	s28 =	simm.s32 $0x5400  }
0x41: {  	[tilespmem:s28], [sflag:$0x3] =	stream.indirect_vreg.gather [hbm4b:s10+s5], $0x80, v2, vm0, $0xb8;
	[tilespmem:$0x10400] =	vst v63  }
0x42: {  	s29 =	simm.s32 $0x5C00  }
0x43: {  	[tilespmem:s29], [sflag:$0x3] =	stream.indirect_vreg.gather [hbm4b:s12+s5], $0x80, v2, vm0, $0xb8;
	[tilespmem:$0x10400] =	vst v63  }
0x44: {  	s31 =	simm.s32 $0xC400;
	s30 =	rddreg [dreg:$0x9];
	s11 =	simm.s32 $0x0  }
0x45: {  	[tilespmem:s31], [sflag:$0x7] =	stream.linear.gather [hbm4b:s30+s5], $0x2000, $0x38;
	[tilespmem:$0x10400] =	vst v63  }
.LBB2_2:
0x46: {  	s0 =	simm.s32 $0x1  }
0x47: {  	_ =	swait.ge [sflag:s0], $0x2000  }
0x48: {  	[sflag:s0] =	ssyncset.done $0x0  }
0x49: {  	s31 =	simm.s32 $0x5;
	[sflag:s0] =	ssyncadd.s32 $0xFFFFE000  }
0x4a: {  	_ =	swait.ge [sflag:s31], $0x2000  }
0x4b: {  	p0 =	seq.s32 s11, $0x0;
	[sflag:s31] =	ssyncset.done $0x0  }
0x4c: {  	s7 =	simm.s32 @!p0 $0xC;
	[sflag:s31] =	ssyncadd.s32 $0xFFFFE000  }
0x4d: {  	s17 =	sshll.u32 s11, $0x2;
	_ =	swait.ge @!p0 [sflag:s7], $0x2000  }
0x4e: {  	s17 =	sor.u32 $0x3, s17;
	[sflag:s7] =	ssyncset.done @!p0 $0x0  }
0x4f: {  	s2 =	sshll.u32 s17, $0x3;
	[sflag:s7] =	ssyncadd.s32 @!p0 $0xFFFFE000  }
0x50: {  	v2 =	vld.msk [tilespmem:s2+$0x0], $0xff;
	_ =	sdelay $0x4  }
0x51: {  	v3 =	vshll.u32 v2, $0x3  }
0x52: {  	v2 =	vand.u32 $0x7, v2;
	v3 =	vand.u32 $0xFFFFFFC0, v3  }
0x53: {  	v2 =	vor.u32 v2, v3  }
0x54: {  	v2 =	vperm.xlane v2, v0;
	_ =	sdelay $0x1  }
0x55: {  	v2 =	vadd.s32 v1, v2;
	_ =	sdelay $0x3  }
0x56: {  	s22 =	simm.s32 $0x0  }
0x57: {  	[tilespmem:s4], [sflag:$0x4] =	stream.indirect_vreg.gather [hbm4b:s3+s22], $0x80, v2, vm0, $0xb8;
	[tilespmem:$0x10400] =	vst v63  }
0x58: {  	s4 =	simm.s32 $0x6C00  }
0x59: {  	[tilespmem:s4], [sflag:$0x4] =	stream.indirect_vreg.gather [hbm4b:s9+s22], $0x80, v2, vm0, $0xb8;
	[tilespmem:$0x10400] =	vst v63  }
0x5a: {  	s15 =	simm.s32 $0x7400;
	s18 =	simm.s32 $0x7C00;
	s7 =	sadd.s32 s6, s2  }
0x5b: {  	[tilespmem:s15], [sflag:$0x4] =	stream.indirect_vreg.gather [hbm4b:s10+s22], $0x80, v2, vm0, $0xb8;
	[tilespmem:$0x10400] =	vst v63  }
0x5c: {  	s21 =	sand.u32 $0x1800, s22;
	s24 =	sand.u32 $0x380, s22;
	s7 =	sshll.u32 s7, $0x7  }
0x5d: {  	[tilespmem:s18], [sflag:$0x4] =	stream.indirect_vreg.gather [hbm4b:s12+s22], $0x80, v2, vm0, $0xb8;
	[tilespmem:$0x10400] =	vst v63  }
0x5e: {  	s19 =	simm.s32 $0xE400;
	s24 =	sor.u32 s24, s21;
	s7 =	sadd.s32 s1, s7  }
0x5f: {  	[tilespmem:s19], [sflag:$0x8] =	stream.linear.gather [hbm4b:s7+s22], $0x2000, $0x38;
	[tilespmem:$0x10400] =	vst v63  }
0x60: {  	v9 =	vld [tilespmem:s24+$0x8400]  }
0x61: {  	v10 =	vld [tilespmem:s24+$0x8410]  }
0x62: {  	v11 =	vld [tilespmem:s24+$0x8420]  }
0x63: {  	v12 =	vld [tilespmem:s24+$0x8430]  }
0x64: {  	v13 =	vld [tilespmem:s24+$0x8440]  }
0x65: {  	v14 =	vld [tilespmem:s24+$0x8450]  }
0x66: {  	v15 =	vld [tilespmem:s24+$0x8800]  }
0x67: {  	s20 =	sand.u32 $0x3, s22;
	v16 =	vld [tilespmem:s24+$0x8810]  }
0x68: {  	s7 =	sshll.u32 s20, $0xB;
	v5 =	vld [tilespmem:s24+$0x8820]  }
0x69: {  	s7 =	sadd.s32 $0x0, s7;
	v4 =	vld [tilespmem:s24+$0x8830]  }
0x6a: {  	v3 =	vld [tilespmem:s24+$0x8840];
	s18 =	sor.u32 $0x470, s7  }
0x6b: {  	s23 =	sor.u32 $0x60, s7;
	v2 =	vld [tilespmem:s18+$0x8400]  }
0x6c: {  	s25 =	sor.u32 $0x70, s7;
	v6 =	vld [tilespmem:s23+$0x8400]  }
0x6d: {  	s7 =	sor.u32 $0x460, s7;
	v7 =	vld [tilespmem:s25+$0x8400]  }
0x6e: {  	s26 =	sor.u32 $0x410, s24;
	v8 =	vld [tilespmem:s7+$0x8400]  }
0x6f: {  	s28 =	sor.u32 $0x420, s24;
	[tilespmem:s26+$0x0] =	vst.add.f32.msk $0xffff, v10  }
0x70: {  	s29 =	sor.u32 $0x430, s24;
	[tilespmem:s28+$0x0] =	vst.add.f32.msk $0xffff, v11  }
0x71: {  	s30 =	sor.u32 $0x440, s24;
	[tilespmem:s29+$0x0] =	vst.add.f32.msk $0xffff, v12  }
0x72: {  	s31 =	sor.u32 $0x450, s24;
	[tilespmem:s30+$0x0] =	vst.add.f32.msk $0xffff, v13  }
0x73: {  	[tilespmem:s31+$0x0] =	vst.add.f32.msk $0xffff, v14  }
0x74: {  	[tilespmem:s24+$0x800] =	vst.add.f32.msk $0xffff, v15  }
0x75: {  	[tilespmem:s24+$0x810] =	vst.add.f32.msk $0xffff, v16  }
0x76: {  	[tilespmem:s18+$0x400] =	vst.add.f32.msk $0xffff, v2  }
0x77: {  	v2 =	vld [tilespmem:s24+$0x8850]  }
0x78: {  	[tilespmem:s23+$0x400] =	vst.add.f32.msk $0xffff, v6  }
0x79: {  	[tilespmem:s25+$0x400] =	vst.add.f32.msk $0xffff, v7  }
0x7a: {  	s18 =	sor.u32 $0x400, s24;
	[tilespmem:s7+$0x400] =	vst.add.f32.msk $0xffff, v8  }
0x7b: {  	s23 =	simm.s32 $0x1;
	s25 =	simm.s32 $0x0;
	[tilespmem:s18+$0x0] =	vst.add.f32.msk $0xffff, v9;
	s18 =	simm.s32 $0x0  }
.LBB2_3:
0x7c: {  	s7 =	sand.u32 $0x3, s23;
	s18 =	sadd.s32 $0x10, s18;
	[tilespmem:s24+$0x820] =	vst.add.f32.msk $0xffff, v5;
	s22 =	sadd.s32 $0x800, s22  }
0x7d: {  	s25 =	sadd.s32 $0x20, s25;
	s7 =	sshll.u32 s7, $0xB;
	p0 =	slt.u32 s18, $0x1F0;
	[tilespmem:s24+$0x830] =	vst.add.f32.msk $0xffff, v4  }
0x7e: {  	s26 =	sand.u32 $0x1800, s22;
	s29 =	sand.u32 $0x380, s25;
	s7 =	sadd.s32 s7, s25;
	[tilespmem:s24+$0x840] =	vst.add.f32.msk $0xffff, v3  }
0x7f: {  	s15 =	sor.u32 $0x60, s7;
	s21 =	sor.u32 $0x70, s7;
	s4 =	sor.u32 $0x470, s7;
	[tilespmem:s24+$0x850] =	vst.add.f32.msk $0xffff, v2  }
0x80: {  	s24 =	sor.u32 s29, s26;
	s7 =	sor.u32 $0x460, s7;
	v2 =	vld [tilespmem:s4+$0x8400]  }
0x81: {  	s26 =	sor.u32 $0x400, s24;
	s29 =	sor.u32 $0x410, s24;
	s19 =	sor.u32 $0x420, s24;
	v6 =	vld [tilespmem:s15+$0x8400]  }
0x82: {  	s20 =	sor.u32 $0x430, s24;
	s28 =	sor.u32 $0x440, s24;
	s30 =	sor.u32 $0x450, s24;
	v7 =	vld [tilespmem:s21+$0x8400]  }
0x83: {  	v8 =	vld [tilespmem:s7+$0x8400]  }
0x84: {  	v9 =	vld [tilespmem:s24+$0x8400]  }
0x85: {  	[tilespmem:s4+$0x400] =	vst.add.f32.msk $0xffff, v2  }
0x86: {  	v10 =	vld [tilespmem:s24+$0x8410]  }
0x87: {  	v11 =	vld [tilespmem:s24+$0x8420]  }
0x88: {  	v12 =	vld [tilespmem:s24+$0x8430]  }
0x89: {  	v13 =	vld [tilespmem:s24+$0x8440]  }
0x8a: {  	v14 =	vld [tilespmem:s24+$0x8450]  }
0x8b: {  	v15 =	vld [tilespmem:s24+$0x8800]  }
0x8c: {  	v16 =	vld [tilespmem:s24+$0x8810]  }
0x8d: {  	v5 =	vld [tilespmem:s24+$0x8820]  }
0x8e: {  	v4 =	vld [tilespmem:s24+$0x8830]  }
0x8f: {  	v3 =	vld [tilespmem:s24+$0x8840]  }
0x90: {  	v2 =	vld [tilespmem:s24+$0x8850]  }
0x91: {  	[tilespmem:s15+$0x400] =	vst.add.f32.msk $0xffff, v6  }
0x92: {  	[tilespmem:s21+$0x400] =	vst.add.f32.msk $0xffff, v7  }
0x93: {  	[tilespmem:s7+$0x400] =	vst.add.f32.msk $0xffff, v8  }
0x94: {  	[tilespmem:s26+$0x0] =	vst.add.f32.msk $0xffff, v9  }
0x95: {  	[tilespmem:s29+$0x0] =	vst.add.f32.msk $0xffff, v10  }
0x96: {  	[tilespmem:s19+$0x0] =	vst.add.f32.msk $0xffff, v11  }
.Ltmp0:
0x97: {  	[tilespmem:s20+$0x0] =	vst.add.f32.msk $0xffff, v12;
	(pc) =	sbr.rel @p0 .LBB2_3-.Ltmp0, $4  }
0x98: {  	[tilespmem:s28+$0x0] =	vst.add.f32.msk $0xffff, v13  }
0x99: {  	[tilespmem:s30+$0x0] =	vst.add.f32.msk $0xffff, v14  }
0x9a: {  	[tilespmem:s24+$0x800] =	vst.add.f32.msk $0xffff, v15  }
0x9b: {  	s23 =	sadd.s32 $0x1, s23;
	[tilespmem:s24+$0x810] =	vst.add.f32.msk $0xffff, v16  }
0x9c: {  	[tilespmem:s24+$0x820] =	vst.add.f32.msk $0xffff, v5  }
0x9d: {  	[tilespmem:s24+$0x830] =	vst.add.f32.msk $0xffff, v4  }
0x9e: {  	[tilespmem:s24+$0x840] =	vst.add.f32.msk $0xffff, v3  }
0x9f: {  	[tilespmem:s24+$0x850] =	vst.add.f32.msk $0xffff, v2  }
0xa0: {  	s4 =	sshll.u32 s11, $0xC;
	s0 =	rddreg [dreg:$0xa]  }
0xa1: {  	s25 =	simm.s32 $0x400;
	s26 =	simm.s32 $0x2;
	s4 =	sadd.s32 s4, s0  }
0xa2: {  	[hbm4b:s4+s5] =	stream.linear.scatter [tilespmem:s25], [sflag:$0x9], $0x2000, $0x38;
	[tilespmem:$0x10400] =	vst v63  }
0xa3: {  	_ =	swait.ge [sflag:s26], $0x2000  }
0xa4: {  	[sflag:s26] =	ssyncset.done $0x0  }
0xa5: {  	s28 =	simm.s32 $0x6;
	[sflag:s26] =	ssyncadd.s32 $0xFFFFE000  }
0xa6: {  	_ =	swait.ge [sflag:s28], $0x2000  }
0xa7: {  	[sflag:s28] =	ssyncset.done $0x0  }
0xa8: {  	s30 =	simm.s32 $0x9;
	[sflag:s28] =	ssyncadd.s32 $0xFFFFE000  }
0xa9: {  	_ =	swait.ge [sflag:s30], $0x2000  }
0xaa: {  	[sflag:s30] =	ssyncset.done $0x0  }
0xab: {  	s22 =	sshll.u32 s11, $0x5;
	p0 =	seq.s32 s11, $0x1F;
	[sflag:s30] =	ssyncadd.s32 $0xFFFFE000  }
0xac: {  	v2 =	vld.msk @!p0 [tilespmem:s22+$0x20], $0xff;
	_ =	sdelay $0x4  }
0xad: {  	v3 =	vshll.u32 @!p0 v2, $0x3  }
0xae: {  	v4 =	vlaneseq.u32 @!p0;
	v2 =	vand.u32 @!p0 $0x7, v2;
	v3 =	vand.u32 @!p0 $0xFFFFFFC0, v3  }
0xaf: {  	v2 =	vor.u32 @!p0 v2, v3;
	v3 =	vand.u32 @!p0 $0x7, v4;
	v4 =	vshrl.u32 @!p0 v4, $0x3  }
0xb0: {  	v2 =	vperm.xlane @!p0 v2, v3;
	v3 =	vmul.u32 @!p0 $0x8, v4;
	_ =	sdelay $0x1  }
0xb1: {  	v2 =	vadd.s32 @!p0 v3, v2;
	_ =	sdelay $0x3  }
0xb2: {  	vm1 =	vmmov @!p0 $0xffff;
	s7 =	simm.s32 @!p0 $0x400;
	s4 =	simm.s32 @!p0 $0x0  }
0xb3: {  	[tilespmem:s7], [sflag:$0x1] =	stream.indirect_vreg.gather @!p0 [hbm4b:s3+s4], $0x80, v2, vm1, $0xb8;
	[tilespmem:$0x10400] =	vst v63  }
0xb4: {  	s7 =	simm.s32 @!p0 $0xC00  }
0xb5: {  	[tilespmem:s7], [sflag:$0x1] =	stream.indirect_vreg.gather @!p0 [hbm4b:s9+s4], $0x80, v2, vm1, $0xb8;
	[tilespmem:$0x10400] =	vst v63  }
0xb6: {  	s7 =	simm.s32 @!p0 $0x1400  }
0xb7: {  	[tilespmem:s7], [sflag:$0x1] =	stream.indirect_vreg.gather @!p0 [hbm4b:s10+s4], $0x80, v2, vm1, $0xb8;
	[tilespmem:$0x10400] =	vst v63  }
0xb8: {  	s7 =	sadd.s32 @!p0 $0x20, s22  }
0xb9: {  	s15 =	simm.s32 @!p0 $0x1C00;
	s25 =	simm.s32 $0x0;
	s7 =	sadd.s32 @!p0 s6, s7  }
0xba: {  	[tilespmem:s15], [sflag:$0x1] =	stream.indirect_vreg.gather @!p0 [hbm4b:s12+s4], $0x80, v2, vm1, $0xb8;
	[tilespmem:$0x10400] =	vst v63  }
0xbb: {  	s19 =	sand.u32 $0x1800, s25;
	s20 =	sand.u32 $0x380, s25;
	s7 =	sshll.u32 @!p0 s7, $0x7  }
0xbc: {  	s26 =	sor.u32 s20, s19;
	s15 =	simm.s32 @!p0 $0x8400;
	s7 =	sadd.s32 @!p0 s1, s7  }
0xbd: {  	[tilespmem:s15], [sflag:$0x5] =	stream.linear.gather @!p0 [hbm4b:s7+s4], $0x2000, $0x38;
	[tilespmem:$0x10400] =	vst v63  }
0xbe: {  	v9 =	vld [tilespmem:s26+$0xA400]  }
0xbf: {  	v10 =	vld [tilespmem:s26+$0xA410]  }
0xc0: {  	v11 =	vld [tilespmem:s26+$0xA420]  }
0xc1: {  	v12 =	vld [tilespmem:s26+$0xA430]  }
0xc2: {  	v13 =	vld [tilespmem:s26+$0xA440]  }
0xc3: {  	v14 =	vld [tilespmem:s26+$0xA450]  }
0xc4: {  	v15 =	vld [tilespmem:s26+$0xA800]  }
0xc5: {  	s31 =	sand.u32 $0x3, s25;
	v16 =	vld [tilespmem:s26+$0xA810]  }
0xc6: {  	s4 =	sshll.u32 s31, $0xB;
	v5 =	vld [tilespmem:s26+$0xA820]  }
0xc7: {  	s4 =	sadd.s32 $0x0, s4;
	v4 =	vld [tilespmem:s26+$0xA830]  }
0xc8: {  	v3 =	vld [tilespmem:s26+$0xA840];
	s0 =	sor.u32 $0x470, s4  }
0xc9: {  	s2 =	sor.u32 $0x60, s4;
	v2 =	vld [tilespmem:s0+$0xA400]  }
0xca: {  	s18 =	sor.u32 $0x70, s4;
	v6 =	vld [tilespmem:s2+$0xA400]  }
0xcb: {  	s4 =	sor.u32 $0x460, s4;
	v7 =	vld [tilespmem:s18+$0xA400]  }
0xcc: {  	s21 =	sor.u32 $0x2400, s26;
	v8 =	vld [tilespmem:s4+$0xA400]  }
0xcd: {  	s23 =	sor.u32 $0x2410, s26;
	[tilespmem:s21+$0x0] =	vst.add.f32.msk $0xffff, v9  }
0xce: {  	s24 =	sor.u32 $0x2420, s26;
	[tilespmem:s23+$0x0] =	vst.add.f32.msk $0xffff, v10  }
0xcf: {  	s28 =	sor.u32 $0x2430, s26;
	[tilespmem:s24+$0x0] =	vst.add.f32.msk $0xffff, v11  }
0xd0: {  	s30 =	sor.u32 $0x2440, s26;
	[tilespmem:s28+$0x0] =	vst.add.f32.msk $0xffff, v12  }
0xd1: {  	s31 =	sor.u32 $0x2450, s26;
	[tilespmem:s30+$0x0] =	vst.add.f32.msk $0xffff, v13  }
0xd2: {  	[tilespmem:s31+$0x0] =	vst.add.f32.msk $0xffff, v14  }
0xd3: {  	[tilespmem:s26+$0x2800] =	vst.add.f32.msk $0xffff, v15  }
0xd4: {  	[tilespmem:s26+$0x2810] =	vst.add.f32.msk $0xffff, v16  }
0xd5: {  	[tilespmem:s0+$0x2400] =	vst.add.f32.msk $0xffff, v2  }
0xd6: {  	v2 =	vld [tilespmem:s26+$0xA850]  }
0xd7: {  	[tilespmem:s2+$0x2400] =	vst.add.f32.msk $0xffff, v6  }
0xd8: {  	s29 =	simm.s32 $0x1;
	s24 =	sadd.s32 s22, s6;
	[tilespmem:s18+$0x2400] =	vst.add.f32.msk $0xffff, v7  }
0xd9: {  	s7 =	simm.s32 $0x0;
	s23 =	simm.s32 $0x0;
	[tilespmem:s4+$0x2400] =	vst.add.f32.msk $0xffff, v8;
	s18 =	sadd.s32 $0x8, s24  }
.LBB2_5:
0xda: {  	s4 =	sand.u32 $0x3, s29;
	s23 =	sadd.s32 $0x10, s23;
	[tilespmem:s26+$0x2820] =	vst.add.f32.msk $0xffff, v5;
	s25 =	sadd.s32 $0x800, s25  }
0xdb: {  	s7 =	sadd.s32 $0x20, s7;
	s4 =	sshll.u32 s4, $0xB;
	p1 =	slt.u32 s23, $0x1F0;
	[tilespmem:s26+$0x2830] =	vst.add.f32.msk $0xffff, v4  }
0xdc: {  	s15 =	sand.u32 $0x1800, s25;
	s19 =	sand.u32 $0x380, s7;
	s4 =	sadd.s32 s4, s7;
	[tilespmem:s26+$0x2840] =	vst.add.f32.msk $0xffff, v3  }
0xdd: {  	s20 =	sor.u32 $0x60, s4;
	s21 =	sor.u32 $0x70, s4;
	s28 =	sor.u32 $0x470, s4;
	[tilespmem:s26+$0x2850] =	vst.add.f32.msk $0xffff, v2  }
0xde: {  	s26 =	sor.u32 s19, s15;
	s4 =	sor.u32 $0x460, s4;
	v2 =	vld [tilespmem:s28+$0xA400]  }
0xdf: {  	s15 =	sor.u32 $0x2400, s26;
	s19 =	sor.u32 $0x2410, s26;
	s30 =	sor.u32 $0x2420, s26;
	v6 =	vld [tilespmem:s20+$0xA400]  }
0xe0: {  	s31 =	sor.u32 $0x2430, s26;
	s2 =	sor.u32 $0x2440, s26;
	s0 =	sor.u32 $0x2450, s26;
	v7 =	vld [tilespmem:s21+$0xA400]  }
0xe1: {  	v8 =	vld [tilespmem:s4+$0xA400]  }
0xe2: {  	v9 =	vld [tilespmem:s26+$0xA400]  }
0xe3: {  	[tilespmem:s28+$0x2400] =	vst.add.f32.msk $0xffff, v2  }
0xe4: {  	v10 =	vld [tilespmem:s26+$0xA410]  }
0xe5: {  	v11 =	vld [tilespmem:s26+$0xA420]  }
0xe6: {  	v12 =	vld [tilespmem:s26+$0xA430]  }
0xe7: {  	v13 =	vld [tilespmem:s26+$0xA440]  }
0xe8: {  	v14 =	vld [tilespmem:s26+$0xA450]  }
0xe9: {  	v15 =	vld [tilespmem:s26+$0xA800]  }
0xea: {  	v16 =	vld [tilespmem:s26+$0xA810]  }
0xeb: {  	v5 =	vld [tilespmem:s26+$0xA820]  }
0xec: {  	v4 =	vld [tilespmem:s26+$0xA830]  }
0xed: {  	v3 =	vld [tilespmem:s26+$0xA840]  }
0xee: {  	v2 =	vld [tilespmem:s26+$0xA850]  }
0xef: {  	[tilespmem:s20+$0x2400] =	vst.add.f32.msk $0xffff, v6  }
0xf0: {  	[tilespmem:s21+$0x2400] =	vst.add.f32.msk $0xffff, v7  }
0xf1: {  	[tilespmem:s4+$0x2400] =	vst.add.f32.msk $0xffff, v8  }
0xf2: {  	[tilespmem:s15+$0x0] =	vst.add.f32.msk $0xffff, v9  }
0xf3: {  	[tilespmem:s19+$0x0] =	vst.add.f32.msk $0xffff, v10  }
0xf4: {  	[tilespmem:s30+$0x0] =	vst.add.f32.msk $0xffff, v11  }
.Ltmp1:
0xf5: {  	[tilespmem:s31+$0x0] =	vst.add.f32.msk $0xffff, v12;
	(pc) =	sbr.rel @p1 .LBB2_5-.Ltmp1, $4  }
0xf6: {  	[tilespmem:s2+$0x0] =	vst.add.f32.msk $0xffff, v13  }
0xf7: {  	[tilespmem:s0+$0x0] =	vst.add.f32.msk $0xffff, v14  }
0xf8: {  	[tilespmem:s26+$0x2800] =	vst.add.f32.msk $0xffff, v15  }
0xf9: {  	s29 =	sadd.s32 $0x1, s29;
	[tilespmem:s26+$0x2810] =	vst.add.f32.msk $0xffff, v16  }
0xfa: {  	[tilespmem:s26+$0x2820] =	vst.add.f32.msk $0xffff, v5  }
0xfb: {  	[tilespmem:s26+$0x2830] =	vst.add.f32.msk $0xffff, v4  }
0xfc: {  	[tilespmem:s26+$0x2840] =	vst.add.f32.msk $0xffff, v3;
	s0 =	sshll.u32 s18, $0x7  }
0xfd: {  	[tilespmem:s26+$0x2850] =	vst.add.f32.msk $0xffff, v2;
	s2 =	simm.s32 $0x2400;
	s4 =	simm.s32 $0x3;
	s0 =	sadd.s32 s8, s0  }
0xfe: {  	[hbm4b:s0+s5] =	stream.linear.scatter [tilespmem:s2], [sflag:$0xA], $0x2000, $0x38;
	[tilespmem:$0x10400] =	vst v63  }
0xff: {  	_ =	swait.ge [sflag:s4], $0x2000  }
0x100: {  	[sflag:s4] =	ssyncset.done $0x0  }
0x101: {  	s7 =	simm.s32 $0x7;
	[sflag:s4] =	ssyncadd.s32 $0xFFFFE000  }
0x102: {  	_ =	swait.ge [sflag:s7], $0x2000  }
0x103: {  	[sflag:s7] =	ssyncset.done $0x0  }
0x104: {  	s15 =	simm.s32 $0xA;
	[sflag:s7] =	ssyncadd.s32 $0xFFFFE000  }
0x105: {  	_ =	swait.ge [sflag:s15], $0x2000  }
0x106: {  	[sflag:s15] =	ssyncset.done $0x0  }
0x107: {  	[sflag:s15] =	ssyncadd.s32 $0xFFFFE000  }
0x108: {  	v2 =	vld.msk @!p0 [tilespmem:s22+$0x28], $0xff;
	_ =	sdelay $0x4  }
0x109: {  	v3 =	vshll.u32 @!p0 v2, $0x3  }
0x10a: {  	v4 =	vlaneseq.u32 @!p0;
	v2 =	vand.u32 @!p0 $0x7, v2;
	v3 =	vand.u32 @!p0 $0xFFFFFFC0, v3  }
0x10b: {  	v2 =	vor.u32 @!p0 v2, v3;
	v3 =	vand.u32 @!p0 $0x7, v4;
	v4 =	vshrl.u32 @!p0 v4, $0x3  }
0x10c: {  	v2 =	vperm.xlane @!p0 v2, v3;
	v3 =	vmul.u32 @!p0 $0x8, v4;
	_ =	sdelay $0x1  }
0x10d: {  	v2 =	vadd.s32 @!p0 v3, v2;
	_ =	sdelay $0x3  }
0x10e: {  	s0 =	simm.s32 @!p0 $0x0;
	s2 =	simm.s32 @!p0 $0x2400  }
0x10f: {  	[tilespmem:s2], [sflag:$0x2] =	stream.indirect_vreg.gather @!p0 [hbm4b:s3+s0], $0x80, v2, vm1, $0xb8;
	[tilespmem:$0x10400] =	vst v63  }
0x110: {  	s2 =	simm.s32 @!p0 $0x2C00  }
0x111: {  	[tilespmem:s2], [sflag:$0x2] =	stream.indirect_vreg.gather @!p0 [hbm4b:s9+s0], $0x80, v2, vm1, $0xb8;
	[tilespmem:$0x10400] =	vst v63  }
0x112: {  	s2 =	simm.s32 @!p0 $0x3400  }
0x113: {  	[tilespmem:s2], [sflag:$0x2] =	stream.indirect_vreg.gather @!p0 [hbm4b:s10+s0], $0x80, v2, vm1, $0xb8;
	[tilespmem:$0x10400] =	vst v63  }
0x114: {  	s2 =	sadd.s32 @!p0 $0x28, s22  }
0x115: {  	s25 =	simm.s32 $0x0;
	s4 =	simm.s32 @!p0 $0x3C00;
	s2 =	sadd.s32 @!p0 s6, s2  }
0x116: {  	[tilespmem:s4], [sflag:$0x2] =	stream.indirect_vreg.gather @!p0 [hbm4b:s12+s0], $0x80, v2, vm1, $0xb8;
	[tilespmem:$0x10400] =	vst v63  }
0x117: {  	s21 =	sand.u32 $0x1800, s25;
	s15 =	sand.u32 $0x380, s25;
	s2 =	sshll.u32 @!p0 s2, $0x7  }
0x118: {  	s26 =	sor.u32 s15, s21;
	s4 =	simm.s32 @!p0 $0xA400;
	s2 =	sadd.s32 @!p0 s1, s2  }
0x119: {  	[tilespmem:s4], [sflag:$0x6] =	stream.linear.gather @!p0 [hbm4b:s2+s0], $0x2000, $0x38;
	[tilespmem:$0x10400] =	vst v63  }
0x11a: {  	v9 =	vld [tilespmem:s26+$0xC400]  }
0x11b: {  	v10 =	vld [tilespmem:s26+$0xC410]  }
0x11c: {  	v11 =	vld [tilespmem:s26+$0xC420]  }
0x11d: {  	v12 =	vld [tilespmem:s26+$0xC430]  }
0x11e: {  	v13 =	vld [tilespmem:s26+$0xC440]  }
0x11f: {  	v14 =	vld [tilespmem:s26+$0xC450]  }
0x120: {  	v15 =	vld [tilespmem:s26+$0xC800]  }
0x121: {  	s18 =	sand.u32 $0x3, s25;
	v16 =	vld [tilespmem:s26+$0xC810]  }
0x122: {  	s0 =	sshll.u32 s18, $0xB;
	v5 =	vld [tilespmem:s26+$0xC820]  }
0x123: {  	s0 =	sadd.s32 $0x0, s0;
	v4 =	vld [tilespmem:s26+$0xC830]  }
0x124: {  	v3 =	vld [tilespmem:s26+$0xC840];
	s19 =	sor.u32 $0x470, s0  }
0x125: {  	s20 =	sor.u32 $0x60, s0;
	v2 =	vld [tilespmem:s19+$0xC400]  }
0x126: {  	s7 =	sor.u32 $0x70, s0;
	v6 =	vld [tilespmem:s20+$0xC400]  }
0x127: {  	s0 =	sor.u32 $0x460, s0;
	v7 =	vld [tilespmem:s7+$0xC400]  }
0x128: {  	s2 =	sor.u32 $0x4400, s26;
	v8 =	vld [tilespmem:s0+$0xC400]  }
0x129: {  	s23 =	sor.u32 $0x4410, s26;
	[tilespmem:s2+$0x0] =	vst.add.f32.msk $0xffff, v9  }
0x12a: {  	s28 =	sor.u32 $0x4420, s26;
	[tilespmem:s23+$0x0] =	vst.add.f32.msk $0xffff, v10  }
0x12b: {  	s29 =	sor.u32 $0x4430, s26;
	[tilespmem:s28+$0x0] =	vst.add.f32.msk $0xffff, v11  }
0x12c: {  	s30 =	sor.u32 $0x4440, s26;
	[tilespmem:s29+$0x0] =	vst.add.f32.msk $0xffff, v12  }
0x12d: {  	s31 =	sor.u32 $0x4450, s26;
	[tilespmem:s30+$0x0] =	vst.add.f32.msk $0xffff, v13  }
0x12e: {  	[tilespmem:s31+$0x0] =	vst.add.f32.msk $0xffff, v14  }
0x12f: {  	[tilespmem:s26+$0x4800] =	vst.add.f32.msk $0xffff, v15  }
0x130: {  	[tilespmem:s26+$0x4810] =	vst.add.f32.msk $0xffff, v16  }
0x131: {  	[tilespmem:s19+$0x4400] =	vst.add.f32.msk $0xffff, v2  }
0x132: {  	v2 =	vld [tilespmem:s26+$0xC850]  }
0x133: {  	[tilespmem:s20+$0x4400] =	vst.add.f32.msk $0xffff, v6  }
0x134: {  	s18 =	sadd.s32 $0x10, s24;
	[tilespmem:s7+$0x4400] =	vst.add.f32.msk $0xffff, v7  }
0x135: {  	s24 =	simm.s32 $0x1;
	s23 =	simm.s32 $0x0;
	[tilespmem:s0+$0x4400] =	vst.add.f32.msk $0xffff, v8;
	s7 =	simm.s32 $0x0  }
.LBB2_7:
0x136: {  	s0 =	sand.u32 $0x3, s24;
	s23 =	sadd.s32 $0x10, s23;
	[tilespmem:s26+$0x4820] =	vst.add.f32.msk $0xffff, v5;
	s25 =	sadd.s32 $0x800, s25  }
0x137: {  	s7 =	sadd.s32 $0x20, s7;
	s0 =	sshll.u32 s0, $0xB;
	p1 =	slt.u32 s23, $0x1F0;
	[tilespmem:s26+$0x4830] =	vst.add.f32.msk $0xffff, v4  }
0x138: {  	s2 =	sand.u32 $0x1800, s25;
	s4 =	sand.u32 $0x380, s7;
	s0 =	sadd.s32 s0, s7;
	[tilespmem:s26+$0x4840] =	vst.add.f32.msk $0xffff, v3  }
0x139: {  	s15 =	sor.u32 $0x60, s0;
	s19 =	sor.u32 $0x70, s0;
	s20 =	sor.u32 $0x470, s0;
	[tilespmem:s26+$0x4850] =	vst.add.f32.msk $0xffff, v2  }
0x13a: {  	s26 =	sor.u32 s4, s2;
	s0 =	sor.u32 $0x460, s0;
	v2 =	vld [tilespmem:s20+$0xC400]  }
0x13b: {  	s2 =	sor.u32 $0x4400, s26;
	s4 =	sor.u32 $0x4410, s26;
	s21 =	sor.u32 $0x4420, s26;
	v6 =	vld [tilespmem:s15+$0xC400]  }
0x13c: {  	s28 =	sor.u32 $0x4430, s26;
	s29 =	sor.u32 $0x4440, s26;
	s30 =	sor.u32 $0x4450, s26;
	v7 =	vld [tilespmem:s19+$0xC400]  }
0x13d: {  	v8 =	vld [tilespmem:s0+$0xC400]  }
0x13e: {  	v9 =	vld [tilespmem:s26+$0xC400]  }
0x13f: {  	[tilespmem:s20+$0x4400] =	vst.add.f32.msk $0xffff, v2  }
0x140: {  	v10 =	vld [tilespmem:s26+$0xC410]  }
0x141: {  	v11 =	vld [tilespmem:s26+$0xC420]  }
0x142: {  	v12 =	vld [tilespmem:s26+$0xC430]  }
0x143: {  	v13 =	vld [tilespmem:s26+$0xC440]  }
0x144: {  	v14 =	vld [tilespmem:s26+$0xC450]  }
0x145: {  	v15 =	vld [tilespmem:s26+$0xC800]  }
0x146: {  	v16 =	vld [tilespmem:s26+$0xC810]  }
0x147: {  	v5 =	vld [tilespmem:s26+$0xC820]  }
0x148: {  	v4 =	vld [tilespmem:s26+$0xC830]  }
0x149: {  	v3 =	vld [tilespmem:s26+$0xC840]  }
0x14a: {  	v2 =	vld [tilespmem:s26+$0xC850]  }
0x14b: {  	[tilespmem:s15+$0x4400] =	vst.add.f32.msk $0xffff, v6  }
0x14c: {  	[tilespmem:s19+$0x4400] =	vst.add.f32.msk $0xffff, v7  }
0x14d: {  	[tilespmem:s0+$0x4400] =	vst.add.f32.msk $0xffff, v8  }
0x14e: {  	[tilespmem:s2+$0x0] =	vst.add.f32.msk $0xffff, v9  }
0x14f: {  	[tilespmem:s4+$0x0] =	vst.add.f32.msk $0xffff, v10  }
0x150: {  	[tilespmem:s21+$0x0] =	vst.add.f32.msk $0xffff, v11  }
.Ltmp2:
0x151: {  	[tilespmem:s28+$0x0] =	vst.add.f32.msk $0xffff, v12;
	(pc) =	sbr.rel @p1 .LBB2_7-.Ltmp2, $4  }
0x152: {  	[tilespmem:s29+$0x0] =	vst.add.f32.msk $0xffff, v13  }
0x153: {  	[tilespmem:s30+$0x0] =	vst.add.f32.msk $0xffff, v14  }
0x154: {  	[tilespmem:s26+$0x4800] =	vst.add.f32.msk $0xffff, v15  }
0x155: {  	s24 =	sadd.s32 $0x1, s24;
	[tilespmem:s26+$0x4810] =	vst.add.f32.msk $0xffff, v16  }
0x156: {  	[tilespmem:s26+$0x4820] =	vst.add.f32.msk $0xffff, v5  }
0x157: {  	[tilespmem:s26+$0x4830] =	vst.add.f32.msk $0xffff, v4  }
0x158: {  	[tilespmem:s26+$0x4840] =	vst.add.f32.msk $0xffff, v3;
	s0 =	sshll.u32 s18, $0x7  }
0x159: {  	[tilespmem:s26+$0x4850] =	vst.add.f32.msk $0xffff, v2;
	s2 =	simm.s32 $0x4400;
	s0 =	sadd.s32 s8, s0  }
0x15a: {  	[hbm4b:s0+s5] =	stream.linear.scatter [tilespmem:s2], [sflag:$0xB], $0x2000, $0x38;
	[tilespmem:$0x10400] =	vst v63  }
0x15b: {  	_ =	swait.ge [sflag:s13], $0x2000  }
0x15c: {  	[sflag:s13] =	ssyncset.done $0x0  }
0x15d: {  	[sflag:s13] =	ssyncadd.s32 $0xFFFFE000  }
0x15e: {  	_ =	swait.ge [sflag:s14], $0x2000  }
0x15f: {  	[sflag:s14] =	ssyncset.done $0x0  }
0x160: {  	[sflag:s14] =	ssyncadd.s32 $0xFFFFE000  }
0x161: {  	_ =	swait.ge [sflag:s16], $0x2000  }
0x162: {  	[sflag:s16] =	ssyncset.done $0x0  }
0x163: {  	[sflag:s16] =	ssyncadd.s32 $0xFFFFE000  }
0x164: {  	v2 =	vld.msk @!p0 [tilespmem:s22+$0x30], $0xff;
	_ =	sdelay $0x4  }
0x165: {  	v3 =	vshll.u32 @!p0 v2, $0x3  }
0x166: {  	v4 =	vlaneseq.u32 @!p0;
	v2 =	vand.u32 @!p0 $0x7, v2;
	v3 =	vand.u32 @!p0 $0xFFFFFFC0, v3  }
0x167: {  	v2 =	vor.u32 @!p0 v2, v3;
	v3 =	vand.u32 @!p0 $0x7, v4;
	v4 =	vshrl.u32 @!p0 v4, $0x3  }
0x168: {  	v2 =	vperm.xlane @!p0 v2, v3;
	v3 =	vmul.u32 @!p0 $0x8, v4;
	_ =	sdelay $0x1  }
0x169: {  	v2 =	vadd.s32 @!p0 v3, v2;
	_ =	sdelay $0x3  }
0x16a: {  	s0 =	simm.s32 @!p0 $0x0;
	s2 =	simm.s32 @!p0 $0x4400  }
0x16b: {  	[tilespmem:s2], [sflag:$0x3] =	stream.indirect_vreg.gather @!p0 [hbm4b:s3+s0], $0x80, v2, vm1, $0xb8;
	[tilespmem:$0x10400] =	vst v63  }
0x16c: {  	s2 =	simm.s32 @!p0 $0x4C00  }
0x16d: {  	[tilespmem:s2], [sflag:$0x3] =	stream.indirect_vreg.gather @!p0 [hbm4b:s9+s0], $0x80, v2, vm1, $0xb8;
	[tilespmem:$0x10400] =	vst v63  }
0x16e: {  	s2 =	simm.s32 @!p0 $0x5400  }
0x16f: {  	[tilespmem:s2], [sflag:$0x3] =	stream.indirect_vreg.gather @!p0 [hbm4b:s10+s0], $0x80, v2, vm1, $0xb8;
	[tilespmem:$0x10400] =	vst v63  }
0x170: {  	s2 =	sadd.s32 @!p0 $0x30, s22  }
0x171: {  	s4 =	simm.s32 @!p0 $0x5C00;
	s22 =	simm.s32 $0x0;
	s2 =	sadd.s32 @!p0 s6, s2  }
0x172: {  	[tilespmem:s4], [sflag:$0x3] =	stream.indirect_vreg.gather @!p0 [hbm4b:s12+s0], $0x80, v2, vm1, $0xb8;
	[tilespmem:$0x10400] =	vst v63  }
0x173: {  	s15 =	sand.u32 $0x1800, s22;
	s24 =	sand.u32 $0x380, s22;
	s2 =	sshll.u32 @!p0 s2, $0x7  }
0x174: {  	s4 =	simm.s32 @!p0 $0xC400;
	s24 =	sor.u32 s24, s15;
	s2 =	sadd.s32 @!p0 s1, s2  }
0x175: {  	[tilespmem:s4], [sflag:$0x7] =	stream.linear.gather @!p0 [hbm4b:s2+s0], $0x2000, $0x38;
	[tilespmem:$0x10400] =	vst v63  }
0x176: {  	v9 =	vld [tilespmem:s24+$0xE400]  }
0x177: {  	v10 =	vld [tilespmem:s24+$0xE410]  }
0x178: {  	v11 =	vld [tilespmem:s24+$0xE420]  }
0x179: {  	v12 =	vld [tilespmem:s24+$0xE430]  }
0x17a: {  	v13 =	vld [tilespmem:s24+$0xE440]  }
0x17b: {  	v14 =	vld [tilespmem:s24+$0xE450]  }
0x17c: {  	v15 =	vld [tilespmem:s24+$0xE800]  }
0x17d: {  	s20 =	sand.u32 $0x3, s22;
	v16 =	vld [tilespmem:s24+$0xE810]  }
0x17e: {  	s0 =	sshll.u32 s20, $0xB;
	v5 =	vld [tilespmem:s24+$0xE820]  }
0x17f: {  	s0 =	sadd.s32 $0x0, s0;
	v4 =	vld [tilespmem:s24+$0xE830]  }
0x180: {  	v3 =	vld [tilespmem:s24+$0xE840];
	s21 =	sor.u32 $0x470, s0  }
0x181: {  	s23 =	sor.u32 $0x60, s0;
	v2 =	vld [tilespmem:s21+$0xE400]  }
0x182: {  	s7 =	sor.u32 $0x70, s0;
	v6 =	vld [tilespmem:s23+$0xE400]  }
0x183: {  	s0 =	sor.u32 $0x460, s0;
	v7 =	vld [tilespmem:s7+$0xE400]  }
0x184: {  	s25 =	sor.u32 $0x6400, s24;
	v8 =	vld [tilespmem:s0+$0xE400]  }
0x185: {  	s26 =	sor.u32 $0x6410, s24;
	[tilespmem:s25+$0x0] =	vst.add.f32.msk $0xffff, v9  }
0x186: {  	s28 =	sor.u32 $0x6420, s24;
	[tilespmem:s26+$0x0] =	vst.add.f32.msk $0xffff, v10  }
0x187: {  	s29 =	sor.u32 $0x6430, s24;
	[tilespmem:s28+$0x0] =	vst.add.f32.msk $0xffff, v11  }
0x188: {  	s30 =	sor.u32 $0x6440, s24;
	[tilespmem:s29+$0x0] =	vst.add.f32.msk $0xffff, v12  }
0x189: {  	s31 =	sor.u32 $0x6450, s24;
	[tilespmem:s30+$0x0] =	vst.add.f32.msk $0xffff, v13  }
0x18a: {  	[tilespmem:s31+$0x0] =	vst.add.f32.msk $0xffff, v14  }
0x18b: {  	[tilespmem:s24+$0x6800] =	vst.add.f32.msk $0xffff, v15  }
0x18c: {  	[tilespmem:s24+$0x6810] =	vst.add.f32.msk $0xffff, v16  }
0x18d: {  	[tilespmem:s21+$0x6400] =	vst.add.f32.msk $0xffff, v2  }
0x18e: {  	v2 =	vld [tilespmem:s24+$0xE850]  }
0x18f: {  	[tilespmem:s23+$0x6400] =	vst.add.f32.msk $0xffff, v6  }
0x190: {  	[tilespmem:s7+$0x6400] =	vst.add.f32.msk $0xffff, v7  }
0x191: {  	s18 =	simm.s32 $0x0;
	[tilespmem:s0+$0x6400] =	vst.add.f32.msk $0xffff, v8;
	s23 =	simm.s32 $0x1;
	s7 =	simm.s32 $0x0  }
.LBB2_9:
0x192: {  	s0 =	sand.u32 $0x3, s23;
	s18 =	sadd.s32 $0x10, s18;
	[tilespmem:s24+$0x6820] =	vst.add.f32.msk $0xffff, v5;
	s22 =	sadd.s32 $0x800, s22  }
0x193: {  	s7 =	sadd.s32 $0x20, s7;
	s0 =	sshll.u32 s0, $0xB;
	p0 =	slt.u32 s18, $0x1F0;
	[tilespmem:s24+$0x6830] =	vst.add.f32.msk $0xffff, v4  }
0x194: {  	s2 =	sand.u32 $0x1800, s22;
	s4 =	sand.u32 $0x380, s7;
	s0 =	sadd.s32 s0, s7;
	[tilespmem:s24+$0x6840] =	vst.add.f32.msk $0xffff, v3  }
0x195: {  	s15 =	sor.u32 $0x60, s0;
	s19 =	sor.u32 $0x70, s0;
	s20 =	sor.u32 $0x470, s0;
	[tilespmem:s24+$0x6850] =	vst.add.f32.msk $0xffff, v2  }
0x196: {  	s24 =	sor.u32 s4, s2;
	s0 =	sor.u32 $0x460, s0;
	v2 =	vld [tilespmem:s20+$0xE400]  }
0x197: {  	s2 =	sor.u32 $0x6400, s24;
	s4 =	sor.u32 $0x6410, s24;
	s21 =	sor.u32 $0x6420, s24;
	v6 =	vld [tilespmem:s15+$0xE400]  }
0x198: {  	s25 =	sor.u32 $0x6430, s24;
	s26 =	sor.u32 $0x6440, s24;
	s28 =	sor.u32 $0x6450, s24;
	v7 =	vld [tilespmem:s19+$0xE400]  }
0x199: {  	v8 =	vld [tilespmem:s0+$0xE400]  }
0x19a: {  	v9 =	vld [tilespmem:s24+$0xE400]  }
0x19b: {  	[tilespmem:s20+$0x6400] =	vst.add.f32.msk $0xffff, v2  }
0x19c: {  	v10 =	vld [tilespmem:s24+$0xE410]  }
0x19d: {  	v11 =	vld [tilespmem:s24+$0xE420]  }
0x19e: {  	v12 =	vld [tilespmem:s24+$0xE430]  }
0x19f: {  	v13 =	vld [tilespmem:s24+$0xE440]  }
0x1a0: {  	v14 =	vld [tilespmem:s24+$0xE450]  }
0x1a1: {  	v15 =	vld [tilespmem:s24+$0xE800]  }
0x1a2: {  	v16 =	vld [tilespmem:s24+$0xE810]  }
0x1a3: {  	v5 =	vld [tilespmem:s24+$0xE820]  }
0x1a4: {  	v4 =	vld [tilespmem:s24+$0xE830]  }
0x1a5: {  	v3 =	vld [tilespmem:s24+$0xE840]  }
0x1a6: {  	v2 =	vld [tilespmem:s24+$0xE850]  }
0x1a7: {  	[tilespmem:s15+$0x6400] =	vst.add.f32.msk $0xffff, v6  }
0x1a8: {  	[tilespmem:s19+$0x6400] =	vst.add.f32.msk $0xffff, v7  }
0x1a9: {  	[tilespmem:s0+$0x6400] =	vst.add.f32.msk $0xffff, v8  }
0x1aa: {  	[tilespmem:s2+$0x0] =	vst.add.f32.msk $0xffff, v9  }
0x1ab: {  	[tilespmem:s4+$0x0] =	vst.add.f32.msk $0xffff, v10  }
0x1ac: {  	[tilespmem:s21+$0x0] =	vst.add.f32.msk $0xffff, v11  }
.Ltmp3:
0x1ad: {  	[tilespmem:s25+$0x0] =	vst.add.f32.msk $0xffff, v12;
	(pc) =	sbr.rel @p0 .LBB2_9-.Ltmp3, $4  }
0x1ae: {  	[tilespmem:s26+$0x0] =	vst.add.f32.msk $0xffff, v13  }
0x1af: {  	[tilespmem:s28+$0x0] =	vst.add.f32.msk $0xffff, v14  }
0x1b0: {  	[tilespmem:s24+$0x6800] =	vst.add.f32.msk $0xffff, v15  }
0x1b1: {  	s23 =	sadd.s32 $0x1, s23;
	[tilespmem:s24+$0x6810] =	vst.add.f32.msk $0xffff, v16  }
0x1b2: {  	[tilespmem:s24+$0x6820] =	vst.add.f32.msk $0xffff, v5;
	s11 =	sadd.s32 $0x1, s11  }
0x1b3: {  	[tilespmem:s24+$0x6830] =	vst.add.f32.msk $0xffff, v4;
	p0 =	sne.s32 s11, $0x20  }
.Ltmp4:
0x1b4: {  	s0 =	rddreg [dreg:$0x5];
	(pc) =	sbr.rel @p0 .LBB2_2-.Ltmp4, $4  }
0x1b5: {  	s0 =	sadd.s32 s0, s17  }
0x1b6: {  	[tilespmem:s24+$0x6840] =	vst.add.f32.msk $0xffff, v3;
	s0 =	sshll.u32 s0, $0xA  }
0x1b7: {  	s4 =	simm.s32 $0x6400;
	[tilespmem:s24+$0x6850] =	vst.add.f32.msk $0xffff, v2;
	s0 =	sadd.s32 s8, s0  }
0x1b8: {  	[hbm4b:s0+s5] =	stream.linear.scatter [tilespmem:s4], [sflag:$0xC], $0x2000, $0x38;
	[tilespmem:$0x10400] =	vst v63  }
0x1b9: {  	s2 =	simm.s32 $0xC  }
0x1ba: {  	_ =	swait.ge [sflag:s2], $0x2000  }
0x1bb: {  	s7 =	rddreg [dreg:$0xc]  }
0x1bc: {  	s0 =	rddreg [dreg:$0xb];
	s7 =	sadd.s32 $0x1, s7  }
0x1bd: {  	p0 =	sne.s32 s7, s0  }
.Ltmp5:
0x1be: {  	_ = 	snop;
	(pc) =	sbr.rel @p0 .LBB2_1-.Ltmp5, $3  }
0x1bf: {  	_ =	sdelay $0x1  }
0x1c0: {  	[sflag:s2] =	ssyncset.done $0x0  }
0x1c1: {  	[sflag:s2] =	ssyncadd.s32 $0xFFFFE000  }
0x1c2: {  	_ =	sfence.sel $0x180000  }
0x1c3: {  	[bflag:$0x0] =	sbarrier.arrive $0xFFFF  }
0x1c4: {  	_ =	strace $0x90000047  }
0x1c5: {  	s0 =	stileid.u32;
	[bflag:$0x2] =	sbarrier.arrive $0xFFFF  }
0x1c6: {  	p0 =	sne.s32 s0, $0x0;
	s0 =	rddreg [dreg:$0x4]  }
0x1c7: {  	s0 =	sadd.s32 @!p0 $0x100000, s0  }
0x1c8: {  	[sflag:s0] =	ssyncadd.tile.s32 @!p0 $0x1;
	_ =	shalt  }
.Lfunc_end2:
_tile_overlayer_lowered:
.L_overlay_start_2:
0x1c9: {  	(tag) =	ssettag $0x2  }
0x1ca: {  	s0 =	rddreg [dreg:$0x0];
	s2 =	stileid.u32  }
0x1cb: {  	s1 =	rddreg [dreg:$0x1];
	p0 =	sne.s32 s2, $0x0  }
0x1cc: {  	s3 =	rddreg [dreg:$0x2];
	[bflag:$0x3] =	sbarrier.arrive $0xFFFF;
	s2 =	simm.s32 @!p0 $0x1C0D  }
0x1cd: {  	[timem:s3], [sflag:s2] =	dma.local @!p0 [hbm:s0], s1  }
0x1ce: {  	s0 =	simm.s32 @!p0 $0xD  }
0x1cf: {  	_ =	swait.ge @!p0 [sflag:s0], s1  }
0x1d0: {  	s1 =	ssub.s32 @!p0 $0x0, s1;
	[sflag:s0] =	ssyncset.done @!p0 $0x0  }
0x1d1: {  	[sflag:s0] =	ssyncadd.s32 @!p0 s1  }
0x1d2: {  	[bflag:$0x3] =	sbarrier.arrive $0xFFFF  }
0x1d3: {  	_ =	shalt  }

</sc_bundles>
